<compile_context>
chip_gen: v7x
topology: tpu7x:2x2x1
jax: 0.10.2.dev20260603
libtpu: 0.0.44.dev20260713+nightly
codegen_flags: <defaults>
</compile_context>

<pallas_src>
import functools

import jax
import jax.numpy as jnp
from jax import lax
from jax.experimental import pallas as pl
from jax.experimental.pallas import tpu as pltpu
from jax.experimental.pallas import tpu_sc as plsc

T = 2048
D = 768
F = 2048
E = 8
CAP = 256
LANES = 128
NB = 8
TB = T // NB
FBLK = 1024
NFB = F // FBLK
SENTINEL = 1 << 20
NW = 32
TPW = T // NW
CH = 32


def _routing_body(x_ref, wgt_ref, a1_ref, a2_ref, p1_ref, p2_ref, ps_ref,
                  z_ref, h0_ref):
    x = x_ref[...]
    lg = jnp.dot(x, wgt_ref[...], preferred_element_type=jnp.float32)
    lane = jax.lax.broadcasted_iota(jnp.int32, (T, LANES), 1)
    valid = lane < E
    neg = jnp.float32(-jnp.inf)
    lgm = jnp.where(valid, lg, neg)
    m8 = jnp.max(lgm, axis=1, keepdims=True)
    ex = jnp.where(valid, jnp.exp(lgm - m8), 0.0)
    s8 = jnp.sum(ex, axis=1, keepdims=True)
    probs = ex / s8
    ps_ref[...] = jnp.sum(probs, axis=0, keepdims=True)
    lse = m8 + jnp.log(s8)
    z_ref[...] = jnp.sum(lse * lse, axis=0, keepdims=True) * (0.001 / T)
    v1 = m8
    a1 = jnp.min(jnp.where((lgm == v1) & valid, lane, LANES), axis=1, keepdims=True)
    lgm2 = jnp.where(lane == a1, neg, lgm)
    v2 = jnp.max(lgm2, axis=1, keepdims=True)
    a2 = jnp.min(jnp.where(lgm2 == v2, lane, LANES), axis=1, keepdims=True)
    t2 = jnp.exp(v2 - v1)
    s = 1.0 + t2
    q1 = 1.0 / s
    q2 = t2 / s
    ssum = jnp.maximum(q1 + q2, 1e-8)
    a1_ref[...] = a1
    a2_ref[...] = a2
    p1_ref[...] = q1 / ssum
    p2_ref[...] = q2 / ssum
    h0_ref[...] = jnp.sum(jnp.where(lane == a1, 1, 0), axis=0, keepdims=True)


def _rank_body(a1c_ref, a2c_ref, p1c_ref, p2c_ref,
               a1r_ref, a2r_ref, p1r_ref, p2r_ref, ps_ref, h0_ref,
               s1_ref, s2_ref, p1k_ref, p2k_ref,
               s1x_ref, s2x_ref, lb_ref, tpe_scr):
    b = pl.program_id(0)
    ti = b * TB + jax.lax.broadcasted_iota(jnp.int32, (TB, 1), 0)
    tj = jax.lax.broadcasted_iota(jnp.int32, (1, T), 1)
    e1 = a1c_ref[...]
    e2 = a2c_ref[...]
    pc1 = p1c_ref[...]
    pc2 = p2c_ref[...]
    er1 = a1r_ref[...]
    er2 = a2r_ref[...]
    pr1 = p1r_ref[...]
    pr2 = p2r_ref[...]

    def quad(ec, pc, er, pr, before):
        same = er == ec
        beats = (pr > pc) | ((pr == pc) & before)
        return jnp.sum(jnp.where(same & beats, 1, 0), axis=1, keepdims=True)

    r1 = quad(e1, pc1, er1, pr1, tj < ti)
    r2 = quad(e2, pc2, er2, pr2, tj < ti)
    near = (jnp.sum(jnp.where(pr1 < 0.5 + 1e-6, 1, 0))
            + jnp.sum(jnp.where(pr2 > 0.5 - 1e-6, 1, 0))) > 0

    def exact_cross(_):
        c1 = quad(e1, pc1, er2, pr2, tj < ti)
        c2 = quad(e2, pc2, er1, pr1, tj <= ti)
        return c1, c2

    def fast_cross(_):
        c1 = jnp.zeros((TB, 1), jnp.int32)
        lane = jax.lax.broadcasted_iota(jnp.int32, (TB, LANES), 1)
        h0 = jnp.sum(jnp.where(lane == e2, h0_ref[...], 0), axis=1,
                     keepdims=True)
        return c1, h0

    c1, c2 = lax.cond(near, exact_cross, fast_cross, 0)
    r1 = r1 + c1
    r2 = r2 + c2
    keep1 = r1 < CAP
    keep2 = r2 < CAP
    s1 = jnp.where(keep1, e1 * CAP + r1, SENTINEL)
    s2 = jnp.where(keep2, e2 * CAP + r2, SENTINEL)
    p1k = jnp.where(keep1, pc1, 0.0)
    p2k = jnp.where(keep2, pc2, 0.0)
    s1_ref[...] = s1
    s2_ref[...] = s2
    p1k_ref[...] = p1k
    p2k_ref[...] = p2k
    s1x_ref[...] = jnp.where(keep1, s1, T)
    s2x_ref[...] = jnp.where(keep2, s2, T)
    lane = jax.lax.broadcasted_iota(jnp.int32, (TB, LANES), 1)
    oh = jnp.where((lane == e1) & keep1, 1.0, 0.0)
    contrib = jnp.sum(oh, axis=0, keepdims=True)
    acc = jnp.where(b == 0, contrib, tpe_scr[...] + contrib)
    tpe_scr[...] = acc

    @pl.when(b == NB - 1)
    def _():
        lb_ref[...] = jnp.sum(ps_ref[...] * acc, axis=1,
                              keepdims=True) * (0.01 / (T * E))


def _ffn_body(x_ref, w1_ref, w3_ref, w2_ref, s1r_ref, s2r_ref,
              p1r_ref, p2r_ref, y_ref, buf_scr, w_scr):
    e = pl.program_id(0)
    fb = pl.program_id(1)
    bf = jnp.bfloat16

    @pl.when(e == E)
    def _():
        y_ref[...] = jnp.zeros((CAP, D), jnp.float32)

    @pl.when(e < E)
    def _():
        @pl.when(fb == 0)
        def _():
            srow = e * CAP + jax.lax.broadcasted_iota(jnp.int32, (CAP, 1), 0)
            sel = (s1r_ref[...] == srow) | (s2r_ref[...] == srow)
            disp = jnp.where(sel, 1.0, 0.0).astype(bf)
            buf_scr[...] = jnp.dot(disp, x_ref[...].astype(bf),
                                   preferred_element_type=jnp.float32)
            w = (jnp.where(s1r_ref[...] == srow, p1r_ref[...], 0.0)
                 + jnp.where(s2r_ref[...] == srow, p2r_ref[...], 0.0))
            w_scr[...] = jnp.sum(w, axis=1, keepdims=True)

        buf = buf_scr[...].astype(bf)
        nt = (((1,), (1,)), ((), ()))
        h1 = jax.lax.dot_general(buf, w1_ref[0].astype(bf), nt,
                                 preferred_element_type=jnp.float32)
        h3 = jax.lax.dot_general(buf, w3_ref[0].astype(bf), nt,
                                 preferred_element_type=jnp.float32)
        h = (h1 * jax.lax.logistic(h1) * h3).astype(bf)
        yp = jax.lax.dot_general(h, w2_ref[0].astype(bf), nt,
                                 preferred_element_type=jnp.float32)

        @pl.when(fb == 0)
        def _():
            y_ref[...] = yp

        @pl.when((fb > 0) & (fb < NFB - 1))
        def _():
            y_ref[...] = y_ref[...] + yp

        @pl.when(fb == NFB - 1)
        def _():
            y_ref[...] = (y_ref[...] + yp) * w_scr[...]


def _sc_combine(y, s1x, s2x):
    mesh = plsc.VectorSubcoreMesh(core_axis_name="c", subcore_axis_name="s")

    @functools.partial(
        pl.kernel, mesh=mesh,
        out_type=jax.ShapeDtypeStruct((T, D), jnp.float32),
        scratch_types=[
            pltpu.VMEM((CH,), jnp.int32),
            pltpu.VMEM((CH,), jnp.int32),
            pltpu.VMEM((CH,), jnp.int32),
            pltpu.VMEM((CH, D), jnp.float32),
            pltpu.VMEM((CH, D), jnp.float32),
            pltpu.VMEM_SHARED((16 * CH, D), jnp.float32),
            pltpu.SemaphoreType.DMA,
        ],
    )
    def k(y_hbm, s1_hbm, s2_hbm, out_hbm,
          idx0_v, idx1_v, idx2_v, r1_v, r2_v, sh, sem):
        sid = lax.axis_index("s")
        wid = sid * 2 + lax.axis_index("c")
        for c in range(CH // 16):
            idx0_v[pl.ds(c * 16, 16)] = (jax.lax.iota(jnp.int32, 16)
                                         + (c * 16 + sid * CH))
        for ch in range(TPW // CH):
            base = wid * TPW + ch * CH
            pltpu.sync_copy(s1_hbm.at[pl.ds(base, CH)], idx1_v)
            pltpu.sync_copy(s2_hbm.at[pl.ds(base, CH)], idx2_v)
            cp1 = pltpu.async_copy(y_hbm.at[idx1_v], r1_v, sem)
            cp2 = pltpu.async_copy(y_hbm.at[idx2_v], r2_v, sem)
            cp1.wait()
            cp2.wait()
            pltpu.sync_copy(r1_v, out_hbm.at[pl.ds(base, CH)])

    return k(y, s1x, s2x)


def kernel(x, Wg, W1, W3, W2):
    wgt = jnp.zeros((D, LANES), jnp.float32).at[:, :E].set(Wg.T)

    a1, a2, p1, p2, ps, z, h0 = pl.pallas_call(
        _routing_body,
        out_shape=(
            jax.ShapeDtypeStruct((T, 1), jnp.int32),
            jax.ShapeDtypeStruct((T, 1), jnp.int32),
            jax.ShapeDtypeStruct((T, 1), jnp.float32),
            jax.ShapeDtypeStruct((T, 1), jnp.float32),
            jax.ShapeDtypeStruct((1, LANES), jnp.float32),
            jax.ShapeDtypeStruct((1, 1), jnp.float32),
            jax.ShapeDtypeStruct((1, LANES), jnp.int32),
        ),
    )(x, wgt)

    a1r = a1.reshape(1, T)
    a2r = a2.reshape(1, T)
    p1r = p1.reshape(1, T)
    p2r = p2.reshape(1, T)

    col = pl.BlockSpec((TB, 1), lambda b: (b, 0))
    row = pl.BlockSpec((1, T), lambda b: (0, 0))
    one = pl.BlockSpec((1, 1), lambda b: (0, 0))
    vec = pl.BlockSpec((1, LANES), lambda b: (0, 0))
    s1, s2, p1k, p2k, s1x, s2x, lb = pl.pallas_call(
        _rank_body,
        grid=(NB,),
        in_specs=[col, col, col, col, row, row, row, row, vec, vec],
        out_specs=(col, col, col, col, col, col, one),
        out_shape=(
            jax.ShapeDtypeStruct((T, 1), jnp.int32),
            jax.ShapeDtypeStruct((T, 1), jnp.int32),
            jax.ShapeDtypeStruct((T, 1), jnp.float32),
            jax.ShapeDtypeStruct((T, 1), jnp.float32),
            jax.ShapeDtypeStruct((T, 1), jnp.int32),
            jax.ShapeDtypeStruct((T, 1), jnp.int32),
            jax.ShapeDtypeStruct((1, 1), jnp.float32),
        ),
        scratch_shapes=[pltpu.VMEM((1, LANES), jnp.float32)],
    )(a1, a2, p1, p2, a1r, a2r, p1r, p2r, ps, h0)

    s1r = s1.reshape(1, T)
    s2r = s2.reshape(1, T)
    p1kr = p1k.reshape(1, T)
    p2kr = p2k.reshape(1, T)

    wclamp = lambda e, f: (jnp.minimum(e, E - 1), f, 0)
    w2clamp = lambda e, f: (jnp.minimum(e, E - 1), 0, f)
    y = pl.pallas_call(
        _ffn_body,
        grid=(E + 1, NFB),
        in_specs=[
            pl.BlockSpec((T, D), lambda e, f: (0, 0)),
            pl.BlockSpec((1, FBLK, D), wclamp),
            pl.BlockSpec((1, FBLK, D), wclamp),
            pl.BlockSpec((1, D, FBLK), w2clamp),
            pl.BlockSpec((1, T), lambda e, f: (0, 0)),
            pl.BlockSpec((1, T), lambda e, f: (0, 0)),
            pl.BlockSpec((1, T), lambda e, f: (0, 0)),
            pl.BlockSpec((1, T), lambda e, f: (0, 0)),
        ],
        out_specs=pl.BlockSpec((CAP, D), lambda e, f: (e, 0)),
        out_shape=jax.ShapeDtypeStruct((T + CAP, D), jnp.float32),
        scratch_shapes=[pltpu.VMEM((CAP, D), jnp.float32),
                        pltpu.VMEM((CAP, 1), jnp.float32)],
    )(x, W1, W3, W2, s1r, s2r, p1kr, p2kr)

    out = _sc_combine(y, s1x.reshape(T), s2x.reshape(T))
    return out, lb.reshape(()), z.reshape(())

# --- scband reference (transcript-rebuilt; emitter-appended) ---
"""Pipeline reference for scband-optimized-mo-elayer-24257975287910 (READ-ONLY COPY).

The authoritative reference and input builder live on the scoring server;
editing this copy changes nothing except your own understanding.
"""

import jax, jax.numpy as jnp
import numpy as np

T = 2048
D_MODEL = 768
D_FF = 2048
E = 8
TOP_K = 2
CAPACITY_FACTOR = 1.0


def setup_inputs(seed: int = 0) -> dict:
    key = jax.random.key(seed)
    k_x, k_g, k_w1, k_w3, k_w2 = jax.random.split(key, 5)
    x = jax.random.normal(k_x, (T, D_MODEL), dtype=jnp.float32)
    # router gate: nn.Linear(d_model, num_experts, bias=False), init std=0.1
    Wg = 0.1 * jax.random.normal(k_g, (E, D_MODEL), dtype=jnp.float32)
    # per-expert SwiGLU FFN weights
    std13 = np.sqrt(2.0 / D_MODEL)
    std2 = np.sqrt(2.0 / D_FF)
    W1 = std13 * jax.random.normal(k_w1, (E, D_FF, D_MODEL), dtype=jnp.float32)
    W3 = std13 * jax.random.normal(k_w3, (E, D_FF, D_MODEL), dtype=jnp.float32)
    W2 = std2 * jax.random.normal(k_w2, (E, D_MODEL, D_FF), dtype=jnp.float32)
    return {"x": x, "Wg": Wg, "W1": W1, "W3": W3, "W2": W2}


def _moe_forward(x, Wg, W1, W3, W2):
    Ttok, D = x.shape
    cap = int((Ttok / E) * CAPACITY_FACTOR)
    # ---- CapacityBasedRouter ----
    logits = x @ Wg.T                       # [T, E]
    probs = jax.nn.softmax(logits, axis=-1)
    topk_logits, topk_idx = jax.lax.top_k(logits, TOP_K)   # [T, K]
    topk_probs = jax.nn.softmax(topk_logits, axis=-1)
    topk_probs = topk_probs / jnp.clip(topk_probs.sum(-1, keepdims=True), 1e-8)
    idx_flat = topk_idx.reshape(-1)          # [T*K]
    p_flat = topk_probs.reshape(-1)          # [T*K]
    # capacity constraint: per expert keep top-`cap` assignments by prob
    keep = jnp.zeros_like(p_flat, dtype=bool)
    for e in range(E):
        mask_e = idx_flat == e
        scores = jnp.where(mask_e, p_flat, -jnp.inf)
        _, sel = jax.lax.top_k(scores, cap)
        ke = jnp.zeros_like(mask_e).at[sel].set(True) & mask_e
        keep = keep | ke
    p_flat = jnp.where(keep, p_flat, 0.0)
    idx_kept = jnp.where(keep, idx_flat, -1)
    # ---- aux losses ----
    top1 = idx_kept.reshape(Ttok, TOP_K)[:, 0]
    valid = top1 != -1
    oh_top1 = jnp.where(valid[:, None], jax.nn.one_hot(jnp.clip(top1, 0, E - 1), E), 0.0)
    tokens_per_expert = oh_top1.sum(axis=0)
    lb_loss = (probs.sum(axis=0) * tokens_per_expert).sum() * 0.01 / (Ttok * E)
    z_loss = (jax.nn.logsumexp(logits, axis=-1) ** 2).mean() * 0.001
    # ---- dispatch to per-expert capacity buffers ----
    oh = jnp.where(keep[:, None], jax.nn.one_hot(idx_flat, E, dtype=jnp.int32), 0)  # [T*K, E]
    pos_all = jnp.cumsum(oh, axis=0) - 1
    pos = jnp.sum(pos_all * oh, axis=1)             # position within expert for each kept assignment
    tok = jnp.repeat(jnp.arange(Ttok), TOP_K)       # token id per assignment
    e_asn = jnp.where(keep, idx_flat, 0)
    pos = jnp.where(keep, pos, cap)                 # dropped assignments go to overflow slot
    buf = jnp.zeros((E, cap + 1, D), dtype=x.dtype).at[e_asn, pos].set(x[tok] * keep[:, None])
    # ---- per-expert SwiGLU FFN (grouped gemm) ----
    h1 = jnp.einsum('ecd,efd->ecf', buf, W1)
    h3 = jnp.einsum('ecd,efd->ecf', buf, W3)
    h = jax.nn.silu(h1) * h3
    y = jnp.einsum('ecf,edf->ecd', h, W2)           # [E, cap+1, D]
    # ---- combine ----
    out_asn = y[e_asn, pos]                          # [T*K, D]
    out = jnp.zeros((Ttok, D), dtype=x.dtype).at[tok].add(p_flat[:, None] * out_asn)
    return out, lb_loss, z_loss


def reference(x, Wg, W1, W3, W2):
    return _moe_forward(x, Wg, W1, W3, W2)

if __name__ == "__main__":
    import jax
    _d = setup_inputs()
    print(jax.jit(kernel)(*tuple(_d.values())))

</pallas_src>

<mosaic_0001>
#map = affine_map<(d0, d1) -> (0, 0)>
#map1 = affine_map<(d0, d1) -> (0)>
module attributes {stable_mosaic.version = 14 : i64} {
  func.func @k(%arg0: i32, %arg1: i32, %arg2: memref<2304x768xf32, #tpu.memory_space<hbm>>, %arg3: memref<2048xi32, #tpu.memory_space<hbm>>, %arg4: memref<2048xi32, #tpu.memory_space<hbm>>, %arg5: memref<2048x768xf32, #tpu.memory_space<hbm>>, %arg6: memref<32xi32, #tpu.memory_space<vmem>>, %arg7: memref<32xi32, #tpu.memory_space<vmem>>, %arg8: memref<32xi32, #tpu.memory_space<vmem>>, %arg9: memref<32x768xf32, #tpu.memory_space<vmem>>, %arg10: memref<32x768xf32, #tpu.memory_space<vmem>>, %arg11: memref<512x768xf32, #tpu.memory_space<vmem_shared>>, %arg12: memref<!tpu.dma_semaphore, #tpu.memory_space<semaphore_mem>>) attributes {dimension_semantics = [#tpu.dimension_semantics<core_parallel>, #tpu.dimension_semantics<subcore_parallel>], iteration_bounds = array<i64: 2, 16>, scalar_prefetch = 0 : i64, scratch_operands = 7 : i64, tpu.core_type = #tpu.core_type<sc_vector_subcore>, window_params = [{transform_indices = #map}, {transform_indices = #map1}, {transform_indices = #map1}, {transform_indices = #map}]} {
    %mul3A = arith.constant 2 : i32
    %mul3A_0 = arith.muli %arg1, %mul3A : i32
    %add3A = arith.addi %mul3A_0, %arg0 : i32
    %iota3A = tpu.iota {dimensions = array<i32: 0>} : vector<16xi32>
    %mul3A_1 = arith.constant 32 : i32
    %mul3A_2 = arith.muli %arg1, %mul3A_1 : i32
    %add3A_3 = arith.constant 0 : i32
    %add3A_4 = arith.addi %add3A_3, %mul3A_2 : i32
    %add3A_5 = vector.broadcast %add3A_4 : i32 to vector<16xi32>
    %add3A_6 = arith.addi %iota3A, %add3A_5 : vector<16xi32>
    %swap3A = arith.constant 0 : index
    %swap3A_7 = tpu.vector_load %arg6[%swap3A] {strides = array<i32>} : memref<32xi32, #tpu.memory_space<vmem>>, vector<16xi32>,
    %swap3A_8 = vector.shape_cast %swap3A_7 : vector<16xi32> to vector<16xi32>
    %swap3A_9 = vector.shape_cast %add3A_6 : vector<16xi32> to vector<16xi32>
    tpu.vector_store %arg6[%swap3A], %swap3A_9 {strides = array<i32>} : memref<32xi32, #tpu.memory_space<vmem>>, vector<16xi32>,
    %iota3A_10 = tpu.iota {dimensions = array<i32: 0>} : vector<16xi32>
    %mul3A_11 = arith.constant 32 : i32
    %mul3A_12 = arith.muli %arg1, %mul3A_11 : i32
    %add3A_13 = arith.constant 16 : i32
    %add3A_14 = arith.addi %add3A_13, %mul3A_12 : i32
    %add3A_15 = vector.broadcast %add3A_14 : i32 to vector<16xi32>
    %add3A_16 = arith.addi %iota3A_10, %add3A_15 : vector<16xi32>
    %swap3A_17 = arith.constant 16 : index
    %swap3A_18 = tpu.vector_load %arg6[%swap3A_17] {strides = array<i32>} : memref<32xi32, #tpu.memory_space<vmem>>, vector<16xi32>,
    %swap3A_19 = vector.shape_cast %swap3A_18 : vector<16xi32> to vector<16xi32>
    %swap3A_20 = vector.shape_cast %add3A_16 : vector<16xi32> to vector<16xi32>
    tpu.vector_store %arg6[%swap3A_17], %swap3A_20 {strides = array<i32>} : memref<32xi32, #tpu.memory_space<vmem>>, vector<16xi32>,
    %mul3A_21 = arith.constant 64 : i32
    %mul3A_22 = arith.muli %add3A, %mul3A_21 : i32
    %add3A_23 = arith.constant 0 : i32
    %add3A_24 = arith.addi %mul3A_22, %add3A_23 : i32
    "tpu.region"() ({
      %run_scoped3A = tpu.sem_alloc : memref<!tpu.dma_semaphore, #tpu.memory_space<semaphore_mem>>
      %dma_start3A_51 = tpu.memref_slice %arg3[%add3A_24] : memref<2048xi32, #tpu.memory_space<hbm>> -> memref<32xi32, #tpu.memory_space<hbm>>
      %dma_start3A_52 = tpu.memref_slice %arg3[%add3A_24] : memref<2048xi32, #tpu.memory_space<hbm>> -> memref<32xi32, #tpu.memory_space<hbm>>
      tpu.enqueue_dma source(%dma_start3A_52 : memref<32xi32, #tpu.memory_space<hbm>>) target(%arg7 : memref<32xi32, #tpu.memory_space<vmem>>) target_semaphore(%run_scoped3A : memref<!tpu.dma_semaphore, #tpu.memory_space<semaphore_mem>>)
      %dma_wait3A_53 = tpu.memref_slice %arg3[%add3A_24] : memref<2048xi32, #tpu.memory_space<hbm>> -> memref<32xi32, #tpu.memory_space<hbm>>
      %dma_wait3A_54 = tpu.memref_slice %arg3[%add3A_24] : memref<2048xi32, #tpu.memory_space<hbm>> -> memref<32xi32, #tpu.memory_space<hbm>>
      tpu.wait_dma2 semaphore(%run_scoped3A : memref<!tpu.dma_semaphore, #tpu.memory_space<semaphore_mem>>) src(%dma_wait3A_54 : memref<32xi32, #tpu.memory_space<hbm>>) dst(%arg7 : memref<32xi32, #tpu.memory_space<vmem>>)
      tpu.yield
    }) : () -> ()
    "tpu.region"() ({
      %run_scoped3A = tpu.sem_alloc : memref<!tpu.dma_semaphore, #tpu.memory_space<semaphore_mem>>
      %dma_start3A_51 = tpu.memref_slice %arg4[%add3A_24] : memref<2048xi32, #tpu.memory_space<hbm>> -> memref<32xi32, #tpu.memory_space<hbm>>
      %dma_start3A_52 = tpu.memref_slice %arg4[%add3A_24] : memref<2048xi32, #tpu.memory_space<hbm>> -> memref<32xi32, #tpu.memory_space<hbm>>
      tpu.enqueue_dma source(%dma_start3A_52 : memref<32xi32, #tpu.memory_space<hbm>>) target(%arg8 : memref<32xi32, #tpu.memory_space<vmem>>) target_semaphore(%run_scoped3A : memref<!tpu.dma_semaphore, #tpu.memory_space<semaphore_mem>>)
      %dma_wait3A_53 = tpu.memref_slice %arg4[%add3A_24] : memref<2048xi32, #tpu.memory_space<hbm>> -> memref<32xi32, #tpu.memory_space<hbm>>
      %dma_wait3A_54 = tpu.memref_slice %arg4[%add3A_24] : memref<2048xi32, #tpu.memory_space<hbm>> -> memref<32xi32, #tpu.memory_space<hbm>>
      tpu.wait_dma2 semaphore(%run_scoped3A : memref<!tpu.dma_semaphore, #tpu.memory_space<semaphore_mem>>) src(%dma_wait3A_54 : memref<32xi32, #tpu.memory_space<hbm>>) dst(%arg8 : memref<32xi32, #tpu.memory_space<vmem>>)
      tpu.yield
    }) : () -> ()
    %dma_start3A = arith.constant 0 : i32
    %dma_start3A_25 = arith.constant 0 : i32
    %dma_start3A_26 = tpu.memref_slice %arg2[%dma_start3A, %dma_start3A_25] : memref<2304x768xf32, #tpu.memory_space<hbm>> -> memref<2304x768xf32, #tpu.memory_space<hbm>>
    tpu.enqueue_indirect_dma source(%dma_start3A_26 : memref<2304x768xf32, #tpu.memory_space<hbm>>) target(%arg9 : memref<32x768xf32, #tpu.memory_space<vmem>>) offsets(%arg7 : memref<32xi32, #tpu.memory_space<vmem>>) semaphore(%arg12 : memref<!tpu.dma_semaphore, #tpu.memory_space<semaphore_mem>>)
    %dma_start3A_27 = arith.constant 0 : i32
    %dma_start3A_28 = arith.constant 0 : i32
    %dma_start3A_29 = tpu.memref_slice %arg2[%dma_start3A_27, %dma_start3A_28] : memref<2304x768xf32, #tpu.memory_space<hbm>> -> memref<2304x768xf32, #tpu.memory_space<hbm>>
    tpu.enqueue_indirect_dma source(%dma_start3A_29 : memref<2304x768xf32, #tpu.memory_space<hbm>>) target(%arg10 : memref<32x768xf32, #tpu.memory_space<vmem>>) offsets(%arg8 : memref<32xi32, #tpu.memory_space<vmem>>) semaphore(%arg12 : memref<!tpu.dma_semaphore, #tpu.memory_space<semaphore_mem>>)
    %dma_wait3A = arith.constant 0 : i32
    %dma_wait3A_30 = arith.constant 0 : i32
    %dma_wait3A_31 = tpu.memref_slice %arg2[%dma_wait3A, %dma_wait3A_30] : memref<2304x768xf32, #tpu.memory_space<hbm>> -> memref<2304x768xf32, #tpu.memory_space<hbm>>
    tpu.wait_indirect_dma semaphore(%arg12 : memref<!tpu.dma_semaphore, #tpu.memory_space<semaphore_mem>>) src(%dma_wait3A_31 : memref<2304x768xf32, #tpu.memory_space<hbm>>) dst(%arg9 : memref<32x768xf32, #tpu.memory_space<vmem>>)
    %dma_wait3A_32 = arith.constant 0 : i32
    %dma_wait3A_33 = arith.constant 0 : i32
    %dma_wait3A_34 = tpu.memref_slice %arg2[%dma_wait3A_32, %dma_wait3A_33] : memref<2304x768xf32, #tpu.memory_space<hbm>> -> memref<2304x768xf32, #tpu.memory_space<hbm>>
    tpu.wait_indirect_dma semaphore(%arg12 : memref<!tpu.dma_semaphore, #tpu.memory_space<semaphore_mem>>) src(%dma_wait3A_34 : memref<2304x768xf32, #tpu.memory_space<hbm>>) dst(%arg10 : memref<32x768xf32, #tpu.memory_space<vmem>>)
    "tpu.region"() ({
      %run_scoped3A = tpu.sem_alloc : memref<!tpu.dma_semaphore, #tpu.memory_space<semaphore_mem>>
      %dma_start3A_51 = arith.constant 0 : i32
      %dma_start3A_52 = tpu.memref_slice %arg5[%add3A_24, %dma_start3A_51] : memref<2048x768xf32, #tpu.memory_space<hbm>> -> memref<32x768xf32, #tpu.memory_space<hbm>>
      %dma_start3A_53 = arith.constant 0 : i32
      %dma_start3A_54 = tpu.memref_slice %arg5[%add3A_24, %dma_start3A_53] : memref<2048x768xf32, #tpu.memory_space<hbm>> -> memref<32x768xf32, #tpu.memory_space<hbm>>
      tpu.enqueue_dma source(%arg9 : memref<32x768xf32, #tpu.memory_space<vmem>>) target(%dma_start3A_54 : memref<32x768xf32, #tpu.memory_space<hbm>>) target_semaphore(%run_scoped3A : memref<!tpu.dma_semaphore, #tpu.memory_space<semaphore_mem>>)
      %dma_wait3A_55 = arith.constant 0 : i32
      %dma_wait3A_56 = tpu.memref_slice %arg5[%add3A_24, %dma_wait3A_55] : memref<2048x768xf32, #tpu.memory_space<hbm>> -> memref<32x768xf32, #tpu.memory_space<hbm>>
      %dma_wait3A_57 = arith.constant 0 : i32
      %dma_wait3A_58 = tpu.memref_slice %arg5[%add3A_24, %dma_wait3A_57] : memref<2048x768xf32, #tpu.memory_space<hbm>> -> memref<32x768xf32, #tpu.memory_space<hbm>>
      tpu.wait_dma2 semaphore(%run_scoped3A : memref<!tpu.dma_semaphore, #tpu.memory_space<semaphore_mem>>) src(%arg9 : memref<32x768xf32, #tpu.memory_space<vmem>>) dst(%dma_wait3A_58 : memref<32x768xf32, #tpu.memory_space<hbm>>)
      tpu.yield
    }) : () -> ()
    %mul3A_35 = arith.constant 64 : i32
    %mul3A_36 = arith.muli %add3A, %mul3A_35 : i32
    %add3A_37 = arith.constant 32 : i32
    %add3A_38 = arith.addi %mul3A_36, %add3A_37 : i32
    "tpu.region"() ({
      %run_scoped3A = tpu.sem_alloc : memref<!tpu.dma_semaphore, #tpu.memory_space<semaphore_mem>>
      %dma_start3A_51 = tpu.memref_slice %arg3[%add3A_38] : memref<2048xi32, #tpu.memory_space<hbm>> -> memref<32xi32, #tpu.memory_space<hbm>>
      %dma_start3A_52 = tpu.memref_slice %arg3[%add3A_38] : memref<2048xi32, #tpu.memory_space<hbm>> -> memref<32xi32, #tpu.memory_space<hbm>>
      tpu.enqueue_dma source(%dma_start3A_52 : memref<32xi32, #tpu.memory_space<hbm>>) target(%arg7 : memref<32xi32, #tpu.memory_space<vmem>>) target_semaphore(%run_scoped3A : memref<!tpu.dma_semaphore, #tpu.memory_space<semaphore_mem>>)
      %dma_wait3A_53 = tpu.memref_slice %arg3[%add3A_38] : memref<2048xi32, #tpu.memory_space<hbm>> -> memref<32xi32, #tpu.memory_space<hbm>>
      %dma_wait3A_54 = tpu.memref_slice %arg3[%add3A_38] : memref<2048xi32, #tpu.memory_space<hbm>> -> memref<32xi32, #tpu.memory_space<hbm>>
      tpu.wait_dma2 semaphore(%run_scoped3A : memref<!tpu.dma_semaphore, #tpu.memory_space<semaphore_mem>>) src(%dma_wait3A_54 : memref<32xi32, #tpu.memory_space<hbm>>) dst(%arg7 : memref<32xi32, #tpu.memory_space<vmem>>)
      tpu.yield
    }) : () -> ()
    "tpu.region"() ({
      %run_scoped3A = tpu.sem_alloc : memref<!tpu.dma_semaphore, #tpu.memory_space<semaphore_mem>>
      %dma_start3A_51 = tpu.memref_slice %arg4[%add3A_38] : memref<2048xi32, #tpu.memory_space<hbm>> -> memref<32xi32, #tpu.memory_space<hbm>>
      %dma_start3A_52 = tpu.memref_slice %arg4[%add3A_38] : memref<2048xi32, #tpu.memory_space<hbm>> -> memref<32xi32, #tpu.memory_space<hbm>>
      tpu.enqueue_dma source(%dma_start3A_52 : memref<32xi32, #tpu.memory_space<hbm>>) target(%arg8 : memref<32xi32, #tpu.memory_space<vmem>>) target_semaphore(%run_scoped3A : memref<!tpu.dma_semaphore, #tpu.memory_space<semaphore_mem>>)
      %dma_wait3A_53 = tpu.memref_slice %arg4[%add3A_38] : memref<2048xi32, #tpu.memory_space<hbm>> -> memref<32xi32, #tpu.memory_space<hbm>>
      %dma_wait3A_54 = tpu.memref_slice %arg4[%add3A_38] : memref<2048xi32, #tpu.memory_space<hbm>> -> memref<32xi32, #tpu.memory_space<hbm>>
      tpu.wait_dma2 semaphore(%run_scoped3A : memref<!tpu.dma_semaphore, #tpu.memory_space<semaphore_mem>>) src(%dma_wait3A_54 : memref<32xi32, #tpu.memory_space<hbm>>) dst(%arg8 : memref<32xi32, #tpu.memory_space<vmem>>)
      tpu.yield
    }) : () -> ()
    %dma_start3A_39 = arith.constant 0 : i32
    %dma_start3A_40 = arith.constant 0 : i32
    %dma_start3A_41 = tpu.memref_slice %arg2[%dma_start3A_39, %dma_start3A_40] : memref<2304x768xf32, #tpu.memory_space<hbm>> -> memref<2304x768xf32, #tpu.memory_space<hbm>>
    tpu.enqueue_indirect_dma source(%dma_start3A_41 : memref<2304x768xf32, #tpu.memory_space<hbm>>) target(%arg9 : memref<32x768xf32, #tpu.memory_space<vmem>>) offsets(%arg7 : memref<32xi32, #tpu.memory_space<vmem>>) semaphore(%arg12 : memref<!tpu.dma_semaphore, #tpu.memory_space<semaphore_mem>>)
    %dma_start3A_42 = arith.constant 0 : i32
    %dma_start3A_43 = arith.constant 0 : i32
    %dma_start3A_44 = tpu.memref_slice %arg2[%dma_start3A_42, %dma_start3A_43] : memref<2304x768xf32, #tpu.memory_space<hbm>> -> memref<2304x768xf32, #tpu.memory_space<hbm>>
    tpu.enqueue_indirect_dma source(%dma_start3A_44 : memref<2304x768xf32, #tpu.memory_space<hbm>>) target(%arg10 : memref<32x768xf32, #tpu.memory_space<vmem>>) offsets(%arg8 : memref<32xi32, #tpu.memory_space<vmem>>) semaphore(%arg12 : memref<!tpu.dma_semaphore, #tpu.memory_space<semaphore_mem>>)
    %dma_wait3A_45 = arith.constant 0 : i32
    %dma_wait3A_46 = arith.constant 0 : i32
    %dma_wait3A_47 = tpu.memref_slice %arg2[%dma_wait3A_45, %dma_wait3A_46] : memref<2304x768xf32, #tpu.memory_space<hbm>> -> memref<2304x768xf32, #tpu.memory_space<hbm>>
    tpu.wait_indirect_dma semaphore(%arg12 : memref<!tpu.dma_semaphore, #tpu.memory_space<semaphore_mem>>) src(%dma_wait3A_47 : memref<2304x768xf32, #tpu.memory_space<hbm>>) dst(%arg9 : memref<32x768xf32, #tpu.memory_space<vmem>>)
    %dma_wait3A_48 = arith.constant 0 : i32
    %dma_wait3A_49 = arith.constant 0 : i32
    %dma_wait3A_50 = tpu.memref_slice %arg2[%dma_wait3A_48, %dma_wait3A_49] : memref<2304x768xf32, #tpu.memory_space<hbm>> -> memref<2304x768xf32, #tpu.memory_space<hbm>>
    tpu.wait_indirect_dma semaphore(%arg12 : memref<!tpu.dma_semaphore, #tpu.memory_space<semaphore_mem>>) src(%dma_wait3A_50 : memref<2304x768xf32, #tpu.memory_space<hbm>>) dst(%arg10 : memref<32x768xf32, #tpu.memory_space<vmem>>)
    "tpu.region"() ({
      %run_scoped3A = tpu.sem_alloc : memref<!tpu.dma_semaphore, #tpu.memory_space<semaphore_mem>>
      %dma_start3A_51 = arith.constant 0 : i32
      %dma_start3A_52 = tpu.memref_slice %arg5[%add3A_38, %dma_start3A_51] : memref<2048x768xf32, #tpu.memory_space<hbm>> -> memref<32x768xf32, #tpu.memory_space<hbm>>
      %dma_start3A_53 = arith.constant 0 : i32
      %dma_start3A_54 = tpu.memref_slice %arg5[%add3A_38, %dma_start3A_53] : memref<2048x768xf32, #tpu.memory_space<hbm>> -> memref<32x768xf32, #tpu.memory_space<hbm>>
      tpu.enqueue_dma source(%arg9 : memref<32x768xf32, #tpu.memory_space<vmem>>) target(%dma_start3A_54 : memref<32x768xf32, #tpu.memory_space<hbm>>) target_semaphore(%run_scoped3A : memref<!tpu.dma_semaphore, #tpu.memory_space<semaphore_mem>>)
      %dma_wait3A_55 = arith.constant 0 : i32
      %dma_wait3A_56 = tpu.memref_slice %arg5[%add3A_38, %dma_wait3A_55] : memref<2048x768xf32, #tpu.memory_space<hbm>> -> memref<32x768xf32, #tpu.memory_space<hbm>>
      %dma_wait3A_57 = arith.constant 0 : i32
      %dma_wait3A_58 = tpu.memref_slice %arg5[%add3A_38, %dma_wait3A_57] : memref<2048x768xf32, #tpu.memory_space<hbm>> -> memref<32x768xf32, #tpu.memory_space<hbm>>
      tpu.wait_dma2 semaphore(%run_scoped3A : memref<!tpu.dma_semaphore, #tpu.memory_space<semaphore_mem>>) src(%arg9 : memref<32x768xf32, #tpu.memory_space<vmem>>) dst(%dma_wait3A_58 : memref<32x768xf32, #tpu.memory_space<hbm>>)
      tpu.yield
    }) : () -> ()
    return
  }
}

module attributes {stable_mosaic.version = 14 : i64} {
  func.func @_routing_body(%arg0: memref<2048x768xf32, #tpu.memory_space<vmem>>, %arg1: memref<768x128xf32, #tpu.memory_space<vmem>>, %arg2: memref<2048x1xi32, #tpu.memory_space<vmem>>, %arg3: memref<2048x1xi32, #tpu.memory_space<vmem>>, %arg4: memref<2048x1xf32, #tpu.memory_space<vmem>>, %arg5: memref<2048x1xf32, #tpu.memory_space<vmem>>, %arg6: memref<1x128xf32, #tpu.memory_space<vmem>>, %arg7: memref<1x1xf32, #tpu.memory_space<vmem>>, %arg8: memref<1x128xi32, #tpu.memory_space<vmem>>) attributes {dimension_semantics = [], scalar_prefetch = 0 : i64, scratch_operands = 0 : i64, tpu.core_type = #tpu.core_type<tc>} {
    %get3A = arith.constant 0 : index
    %get3A_0 = arith.constant 0 : index
    %get3A_1 = vector.load %arg0[%get3A, %get3A_0] : memref<2048x768xf32, #tpu.memory_space<vmem>>, vector<2048x768xf32>
    %get3A_2 = arith.constant 0 : index
    %get3A_3 = arith.constant 0 : index
    %get3A_4 = vector.load %arg1[%get3A_2, %get3A_3] : memref<768x128xf32, #tpu.memory_space<vmem>>, vector<768x128xf32>
    %dot_general3A = arith.constant dense<0.000000e+00> : vector<2048x128xf32>
    %dot_general3A_5 = tpu.matmul %get3A_1, %get3A_4, %dot_general3A {dimension_numbers = #tpu.dot_dimension_numbers<[1], [0], [0], [1], [0, 0, 1, 1], [], []>, transpose_lhs_hint = false} : vector<2048x768xf32>, vector<768x128xf32>, vector<2048x128xf32> -> vector<2048x128xf32>
    %iota3A = tpu.iota {dimensions = array<i32: 1>} : vector<2048x128xi32>
    %lt3A = arith.constant 8 : i32
    %lt3A_6 = vector.broadcast %lt3A : i32 to vector<2048x128xi32>
    %lt3A_7 = arith.cmpi slt, %iota3A, %lt3A_6 : vector<2048x128xi32>
    %jit3A = arith.constant 0xFF800000 : f32
    %broadcast_in_dim3A = vector.broadcast %jit3A : f32 to vector<2048x128xf32>
    %select_n3A = arith.select %lt3A_7, %dot_general3A_5, %broadcast_in_dim3A : vector<2048x128xi1>, vector<2048x128xf32>
    %reduce_max3A = arith.constant dense<0xFF800000> : vector<2048xf32>
    %reduce_max3A_8 = vector.multi_reduction <maximumf>, %select_n3A, %reduce_max3A [1] : vector<2048x128xf32> to vector<2048xf32>
    %broadcast_in_dim3A_9 = vector.shape_cast %reduce_max3A_8 : vector<2048xf32> to vector<2048x1xf32>
    %sub3A = vector.broadcast %broadcast_in_dim3A_9 : vector<2048x1xf32> to vector<2048x128xf32>
    %sub3A_10 = arith.subf %select_n3A, %sub3A : vector<2048x128xf32>
    %exp3A = math.exp %sub3A_10 : vector<2048x128xf32>
    %jit3A_11 = arith.constant 0.000000e+00 : f32
    %broadcast_in_dim3A_12 = vector.broadcast %jit3A_11 : f32 to vector<2048x128xf32>
    %select_n3A_13 = arith.select %lt3A_7, %exp3A, %broadcast_in_dim3A_12 : vector<2048x128xi1>, vector<2048x128xf32>
    %reduce_sum3A = arith.constant dense<0.000000e+00> : vector<2048xf32>
    %reduce_sum3A_14 = vector.multi_reduction <add>, %select_n3A_13, %reduce_sum3A [1] : vector<2048x128xf32> to vector<2048xf32>
    %broadcast_in_dim3A_15 = vector.shape_cast %reduce_sum3A_14 : vector<2048xf32> to vector<2048x1xf32>
    %div3A = vector.broadcast %broadcast_in_dim3A_15 : vector<2048x1xf32> to vector<2048x128xf32>
    %div3A_16 = arith.divf %select_n3A_13, %div3A : vector<2048x128xf32>
    %reduce_sum3A_17 = arith.constant dense<0.000000e+00> : vector<128xf32>
    %reduce_sum3A_18 = vector.multi_reduction <add>, %div3A_16, %reduce_sum3A_17 [0] : vector<2048x128xf32> to vector<128xf32>
    %broadcast_in_dim3A_19 = vector.shape_cast %reduce_sum3A_18 : vector<128xf32> to vector<1x128xf32>
    %swap3A = arith.constant 0 : index
    %swap3A_20 = arith.constant 0 : index
    %swap3A_21 = vector.load %arg6[%swap3A, %swap3A_20] : memref<1x128xf32, #tpu.memory_space<vmem>>, vector<1x128xf32>
    tpu.vector_store %arg6[%swap3A, %swap3A_20], %broadcast_in_dim3A_19 {strides = array<i32>} : memref<1x128xf32, #tpu.memory_space<vmem>>, vector<1x128xf32>,
    %log3A = math.log %broadcast_in_dim3A_15 : vector<2048x1xf32>
    %add3A = arith.addf %broadcast_in_dim3A_9, %log3A : vector<2048x1xf32>
    %mul3A = arith.mulf %add3A, %add3A : vector<2048x1xf32>
    %reduce_sum3A_22 = arith.constant dense<0.000000e+00> : vector<1xf32>
    %reduce_sum3A_23 = vector.multi_reduction <add>, %mul3A, %reduce_sum3A_22 [0] : vector<2048x1xf32> to vector<1xf32>
    %broadcast_in_dim3A_24 = vector.shape_cast %reduce_sum3A_23 : vector<1xf32> to vector<1x1xf32>
    %mul3A_25 = arith.constant 4.88281273E-7 : f32
    %mul3A_26 = vector.broadcast %mul3A_25 : f32 to vector<1x1xf32>
    %mul3A_27 = arith.mulf %broadcast_in_dim3A_24, %mul3A_26 : vector<1x1xf32>
    %swap3A_28 = arith.constant 0 : index
    %swap3A_29 = arith.constant 0 : index
    %swap3A_30 = vector.load %arg7[%swap3A_28, %swap3A_29] : memref<1x1xf32, #tpu.memory_space<vmem>>, vector<1x1xf32>
    tpu.vector_store %arg7[%swap3A_28, %swap3A_29], %mul3A_27 {strides = array<i32>} : memref<1x1xf32, #tpu.memory_space<vmem>>, vector<1x1xf32>,
    %eq3A = vector.broadcast %broadcast_in_dim3A_9 : vector<2048x1xf32> to vector<2048x128xf32>
    %eq3A_31 = arith.cmpf oeq, %select_n3A, %eq3A : vector<2048x128xf32>
    %and3A = arith.andi %eq3A_31, %lt3A_7 : vector<2048x128xi1>
    %jit3A_32 = arith.constant 128 : i32
    %broadcast_in_dim3A_33 = vector.broadcast %jit3A_32 : i32 to vector<2048x128xi32>
    %select_n3A_34 = arith.select %and3A, %iota3A, %broadcast_in_dim3A_33 : vector<2048x128xi1>, vector<2048x128xi32>
    %reduce_min3A = arith.constant dense<2147483647> : vector<2048xi32>
    %reduce_min3A_35 = vector.multi_reduction <minsi>, %select_n3A_34, %reduce_min3A [1] : vector<2048x128xi32> to vector<2048xi32>
    %broadcast_in_dim3A_36 = vector.shape_cast %reduce_min3A_35 : vector<2048xi32> to vector<2048x1xi32>
    %eq3A_37 = vector.broadcast %broadcast_in_dim3A_36 : vector<2048x1xi32> to vector<2048x128xi32>
    %eq3A_38 = arith.cmpi eq, %iota3A, %eq3A_37 : vector<2048x128xi32>
    %jit3A_39 = arith.constant 0xFF800000 : f32
    %broadcast_in_dim3A_40 = vector.broadcast %jit3A_39 : f32 to vector<2048x128xf32>
    %select_n3A_41 = arith.select %eq3A_38, %broadcast_in_dim3A_40, %select_n3A : vector<2048x128xi1>, vector<2048x128xf32>
    %reduce_max3A_42 = arith.constant dense<0xFF800000> : vector<2048xf32>
    %reduce_max3A_43 = vector.multi_reduction <maximumf>, %select_n3A_41, %reduce_max3A_42 [1] : vector<2048x128xf32> to vector<2048xf32>
    %broadcast_in_dim3A_44 = vector.shape_cast %reduce_max3A_43 : vector<2048xf32> to vector<2048x1xf32>
    %eq3A_45 = vector.broadcast %broadcast_in_dim3A_44 : vector<2048x1xf32> to vector<2048x128xf32>
    %eq3A_46 = arith.cmpf oeq, %select_n3A_41, %eq3A_45 : vector<2048x128xf32>
    %jit3A_47 = arith.constant 128 : i32
    %broadcast_in_dim3A_48 = vector.broadcast %jit3A_47 : i32 to vector<2048x128xi32>
    %select_n3A_49 = arith.select %eq3A_46, %iota3A, %broadcast_in_dim3A_48 : vector<2048x128xi1>, vector<2048x128xi32>
    %reduce_min3A_50 = arith.constant dense<2147483647> : vector<2048xi32>
    %reduce_min3A_51 = vector.multi_reduction <minsi>, %select_n3A_49, %reduce_min3A_50 [1] : vector<2048x128xi32> to vector<2048xi32>
    %broadcast_in_dim3A_52 = vector.shape_cast %reduce_min3A_51 : vector<2048xi32> to vector<2048x1xi32>
    %sub3A_53 = arith.subf %broadcast_in_dim3A_44, %broadcast_in_dim3A_9 : vector<2048x1xf32>
    %exp3A_54 = math.exp %sub3A_53 : vector<2048x1xf32>
    %add3A_55 = arith.constant 1.000000e+00 : f32
    %add3A_56 = vector.broadcast %add3A_55 : f32 to vector<2048x1xf32>
    %add3A_57 = arith.addf %add3A_56, %exp3A_54 : vector<2048x1xf32>
    %div3A_58 = arith.constant 1.000000e+00 : f32
    %div3A_59 = vector.broadcast %div3A_58 : f32 to vector<2048x1xf32>
    %div3A_60 = arith.divf %div3A_59, %add3A_57 : vector<2048x1xf32>
    %div3A_61 = arith.divf %exp3A_54, %add3A_57 : vector<2048x1xf32>
    %add3A_62 = arith.addf %div3A_60, %div3A_61 : vector<2048x1xf32>
    %max3A = arith.constant 9.99999993E-9 : f32
    %max3A_63 = vector.broadcast %max3A : f32 to vector<2048x1xf32>
    %max3A_64 = arith.maximumf %add3A_62, %max3A_63 : vector<2048x1xf32>
    %swap3A_65 = arith.constant 0 : index
    %swap3A_66 = arith.constant 0 : index
    %swap3A_67 = vector.load %arg2[%swap3A_65, %swap3A_66] : memref<2048x1xi32, #tpu.memory_space<vmem>>, vector<2048x1xi32>
    tpu.vector_store %arg2[%swap3A_65, %swap3A_66], %broadcast_in_dim3A_36 {strides = array<i32>} : memref<2048x1xi32, #tpu.memory_space<vmem>>, vector<2048x1xi32>,
    %swap3A_68 = arith.constant 0 : index
    %swap3A_69 = arith.constant 0 : index
    %swap3A_70 = vector.load %arg3[%swap3A_68, %swap3A_69] : memref<2048x1xi32, #tpu.memory_space<vmem>>, vector<2048x1xi32>
    tpu.vector_store %arg3[%swap3A_68, %swap3A_69], %broadcast_in_dim3A_52 {strides = array<i32>} : memref<2048x1xi32, #tpu.memory_space<vmem>>, vector<2048x1xi32>,
    %div3A_71 = arith.divf %div3A_60, %max3A_64 : vector<2048x1xf32>
    %swap3A_72 = arith.constant 0 : index
    %swap3A_73 = arith.constant 0 : index
    %swap3A_74 = vector.load %arg4[%swap3A_72, %swap3A_73] : memref<2048x1xf32, #tpu.memory_space<vmem>>, vector<2048x1xf32>
    tpu.vector_store %arg4[%swap3A_72, %swap3A_73], %div3A_71 {strides = array<i32>} : memref<2048x1xf32, #tpu.memory_space<vmem>>, vector<2048x1xf32>,
    %div3A_75 = arith.divf %div3A_61, %max3A_64 : vector<2048x1xf32>
    %swap3A_76 = arith.constant 0 : index
    %swap3A_77 = arith.constant 0 : index
    %swap3A_78 = vector.load %arg5[%swap3A_76, %swap3A_77] : memref<2048x1xf32, #tpu.memory_space<vmem>>, vector<2048x1xf32>
    tpu.vector_store %arg5[%swap3A_76, %swap3A_77], %div3A_75 {strides = array<i32>} : memref<2048x1xf32, #tpu.memory_space<vmem>>, vector<2048x1xf32>,
    %eq3A_79 = vector.broadcast %broadcast_in_dim3A_36 : vector<2048x1xi32> to vector<2048x128xi32>
    %eq3A_80 = arith.cmpi eq, %iota3A, %eq3A_79 : vector<2048x128xi32>
    %jit3A_81 = arith.constant 1 : i32
    %jit3A_82 = arith.constant 0 : i32
    %broadcast_in_dim3A_83 = vector.broadcast %jit3A_81 : i32 to vector<2048x128xi32>
    %broadcast_in_dim3A_84 = vector.broadcast %jit3A_82 : i32 to vector<2048x128xi32>
    %select_n3A_85 = arith.select %eq3A_80, %broadcast_in_dim3A_83, %broadcast_in_dim3A_84 : vector<2048x128xi1>, vector<2048x128xi32>
    %reduce_sum3A_86 = arith.constant dense<0> : vector<128xi32>
    %reduce_sum3A_87 = vector.multi_reduction <add>, %select_n3A_85, %reduce_sum3A_86 [0] : vector<2048x128xi32> to vector<128xi32>
    %broadcast_in_dim3A_88 = vector.shape_cast %reduce_sum3A_87 : vector<128xi32> to vector<1x128xi32>
    %swap3A_89 = arith.constant 0 : index
    %swap3A_90 = arith.constant 0 : index
    %swap3A_91 = vector.load %arg8[%swap3A_89, %swap3A_90] : memref<1x128xi32, #tpu.memory_space<vmem>>, vector<1x128xi32>
    tpu.vector_store %arg8[%swap3A_89, %swap3A_90], %broadcast_in_dim3A_88 {strides = array<i32>} : memref<1x128xi32, #tpu.memory_space<vmem>>, vector<1x128xi32>,
    return
  }
}

module attributes {stable_mosaic.version = 14 : i64} {
  func.func @_rank_body(%arg0: i32, %arg1: memref<256x1xi32, #tpu.memory_space<vmem>>, %arg2: memref<256x1xi32, #tpu.memory_space<vmem>>, %arg3: memref<256x1xf32, #tpu.memory_space<vmem>>, %arg4: memref<256x1xf32, #tpu.memory_space<vmem>>, %arg5: memref<1x2048xi32, #tpu.memory_space<vmem>>, %arg6: memref<1x2048xi32, #tpu.memory_space<vmem>>, %arg7: memref<1x2048xf32, #tpu.memory_space<vmem>>, %arg8: memref<1x2048xf32, #tpu.memory_space<vmem>>, %arg9: memref<1x128xf32, #tpu.memory_space<vmem>>, %arg10: memref<1x128xi32, #tpu.memory_space<vmem>>, %arg11: memref<256x1xi32, #tpu.memory_space<vmem>>, %arg12: memref<256x1xi32, #tpu.memory_space<vmem>>, %arg13: memref<256x1xf32, #tpu.memory_space<vmem>>, %arg14: memref<256x1xf32, #tpu.memory_space<vmem>>, %arg15: memref<256x1xi32, #tpu.memory_space<vmem>>, %arg16: memref<256x1xi32, #tpu.memory_space<vmem>>, %arg17: memref<1x1xf32, #tpu.memory_space<vmem>>, %arg18: memref<1x128xf32, #tpu.memory_space<vmem>>) attributes {dimension_semantics = [#tpu.dimension_semantics<arbitrary>], iteration_bounds = array<i64: 8>, scalar_prefetch = 0 : i64, scratch_operands = 1 : i64, tpu.core_type = #tpu.core_type<tc>, window_params = [{transform_indices = @transform_0, window_bounds = array<i64: 256, 1>}, {transform_indices = @transform_1, window_bounds = array<i64: 256, 1>}, {transform_indices = @transform_2, window_bounds = array<i64: 256, 1>}, {transform_indices = @transform_3, window_bounds = array<i64: 256, 1>}, {pipeline_mode = #tpu.pipeline_mode<synchronous>, transform_indices = @transform_4, window_bounds = array<i64: 1, 2048>}, {pipeline_mode = #tpu.pipeline_mode<synchronous>, transform_indices = @transform_5, window_bounds = array<i64: 1, 2048>}, {pipeline_mode = #tpu.pipeline_mode<synchronous>, transform_indices = @transform_6, window_bounds = array<i64: 1, 2048>}, {pipeline_mode = #tpu.pipeline_mode<synchronous>, transform_indices = @transform_7, window_bounds = array<i64: 1, 2048>}, {pipeline_mode = #tpu.pipeline_mode<synchronous>, transform_indices = @transform_8, window_bounds = array<i64: 1, 128>}, {pipeline_mode = #tpu.pipeline_mode<synchronous>, transform_indices = @transform_9, window_bounds = array<i64: 1, 128>}, {transform_indices = @transform_10, window_bounds = array<i64: 256, 1>}, {transform_indices = @transform_11, window_bounds = array<i64: 256, 1>}, {transform_indices = @transform_12, window_bounds = array<i64: 256, 1>}, {transform_indices = @transform_13, window_bounds = array<i64: 256, 1>}, {transform_indices = @transform_14, window_bounds = array<i64: 256, 1>}, {transform_indices = @transform_15, window_bounds = array<i64: 256, 1>}, {pipeline_mode = #tpu.pipeline_mode<synchronous>, transform_indices = @transform_16, window_bounds = array<i64: 1, 1>}]} {
    %mul3A = arith.constant 256 : i32
    %mul3A_0 = arith.muli %arg0, %mul3A : i32
    %iota3A = tpu.iota {dimensions = array<i32: 0>} : vector<256x1xi32>
    %add3A = vector.broadcast %mul3A_0 : i32 to vector<256x1xi32>
    %add3A_1 = arith.addi %add3A, %iota3A : vector<256x1xi32>
    %iota3A_2 = tpu.iota {dimensions = array<i32: 1>} : vector<1x2048xi32>
    %get3A = arith.constant 0 : index
    %get3A_3 = arith.constant 0 : index
    %get3A_4 = vector.load %arg1[%get3A, %get3A_3] : memref<256x1xi32, #tpu.memory_space<vmem>>, vector<256x1xi32>
    %get3A_5 = arith.constant 0 : index
    %get3A_6 = arith.constant 0 : index
    %get3A_7 = vector.load %arg2[%get3A_5, %get3A_6] : memref<256x1xi32, #tpu.memory_space<vmem>>, vector<256x1xi32>
    %get3A_8 = arith.constant 0 : index
    %get3A_9 = arith.constant 0 : index
    %get3A_10 = vector.load %arg3[%get3A_8, %get3A_9] : memref<256x1xf32, #tpu.memory_space<vmem>>, vector<256x1xf32>
    %get3A_11 = arith.constant 0 : index
    %get3A_12 = arith.constant 0 : index
    %get3A_13 = vector.load %arg4[%get3A_11, %get3A_12] : memref<256x1xf32, #tpu.memory_space<vmem>>, vector<256x1xf32>
    %get3A_14 = arith.constant 0 : index
    %get3A_15 = arith.constant 0 : index
    %get3A_16 = vector.load %arg5[%get3A_14, %get3A_15] : memref<1x2048xi32, #tpu.memory_space<vmem>>, vector<1x2048xi32>
    %get3A_17 = arith.constant 0 : index
    %get3A_18 = arith.constant 0 : index
    %get3A_19 = vector.load %arg6[%get3A_17, %get3A_18] : memref<1x2048xi32, #tpu.memory_space<vmem>>, vector<1x2048xi32>
    %get3A_20 = arith.constant 0 : index
    %get3A_21 = arith.constant 0 : index
    %get3A_22 = vector.load %arg7[%get3A_20, %get3A_21] : memref<1x2048xf32, #tpu.memory_space<vmem>>, vector<1x2048xf32>
    %get3A_23 = arith.constant 0 : index
    %get3A_24 = arith.constant 0 : index
    %get3A_25 = vector.load %arg8[%get3A_23, %get3A_24] : memref<1x2048xf32, #tpu.memory_space<vmem>>, vector<1x2048xf32>
    %lt3A = vector.broadcast %iota3A_2 : vector<1x2048xi32> to vector<256x2048xi32>
    %lt3A_26 = vector.broadcast %add3A_1 : vector<256x1xi32> to vector<256x2048xi32>
    %lt3A_27 = arith.cmpi slt, %lt3A, %lt3A_26 : vector<256x2048xi32>
    %eq3A = vector.broadcast %get3A_16 : vector<1x2048xi32> to vector<256x2048xi32>
    %eq3A_28 = vector.broadcast %get3A_4 : vector<256x1xi32> to vector<256x2048xi32>
    %eq3A_29 = arith.cmpi eq, %eq3A, %eq3A_28 : vector<256x2048xi32>
    %gt3A = vector.broadcast %get3A_22 : vector<1x2048xf32> to vector<256x2048xf32>
    %gt3A_30 = vector.broadcast %get3A_10 : vector<256x1xf32> to vector<256x2048xf32>
    %gt3A_31 = arith.cmpf ogt, %gt3A, %gt3A_30 : vector<256x2048xf32>
    %eq3A_32 = vector.broadcast %get3A_22 : vector<1x2048xf32> to vector<256x2048xf32>
    %eq3A_33 = vector.broadcast %get3A_10 : vector<256x1xf32> to vector<256x2048xf32>
    %eq3A_34 = arith.cmpf oeq, %eq3A_32, %eq3A_33 : vector<256x2048xf32>
    %and3A = arith.andi %eq3A_34, %lt3A_27 : vector<256x2048xi1>
    %or3A = arith.ori %gt3A_31, %and3A : vector<256x2048xi1>
    %and3A_35 = arith.andi %eq3A_29, %or3A : vector<256x2048xi1>
    %jit3A = arith.constant 1 : i32
    %jit3A_36 = arith.constant 0 : i32
    %broadcast_in_dim3A = vector.broadcast %jit3A : i32 to vector<256x2048xi32>
    %broadcast_in_dim3A_37 = vector.broadcast %jit3A_36 : i32 to vector<256x2048xi32>
    %select_n3A = arith.select %and3A_35, %broadcast_in_dim3A, %broadcast_in_dim3A_37 : vector<256x2048xi1>, vector<256x2048xi32>
    %reduce_sum3A = arith.constant dense<0> : vector<256xi32>
    %reduce_sum3A_38 = vector.multi_reduction <add>, %select_n3A, %reduce_sum3A [1] : vector<256x2048xi32> to vector<256xi32>
    %broadcast_in_dim3A_39 = vector.shape_cast %reduce_sum3A_38 : vector<256xi32> to vector<256x1xi32>
    %lt3A_40 = vector.broadcast %iota3A_2 : vector<1x2048xi32> to vector<256x2048xi32>
    %lt3A_41 = vector.broadcast %add3A_1 : vector<256x1xi32> to vector<256x2048xi32>
    %lt3A_42 = arith.cmpi slt, %lt3A_40, %lt3A_41 : vector<256x2048xi32>
    %eq3A_43 = vector.broadcast %get3A_19 : vector<1x2048xi32> to vector<256x2048xi32>
    %eq3A_44 = vector.broadcast %get3A_7 : vector<256x1xi32> to vector<256x2048xi32>
    %eq3A_45 = arith.cmpi eq, %eq3A_43, %eq3A_44 : vector<256x2048xi32>
    %gt3A_46 = vector.broadcast %get3A_25 : vector<1x2048xf32> to vector<256x2048xf32>
    %gt3A_47 = vector.broadcast %get3A_13 : vector<256x1xf32> to vector<256x2048xf32>
    %gt3A_48 = arith.cmpf ogt, %gt3A_46, %gt3A_47 : vector<256x2048xf32>
    %eq3A_49 = vector.broadcast %get3A_25 : vector<1x2048xf32> to vector<256x2048xf32>
    %eq3A_50 = vector.broadcast %get3A_13 : vector<256x1xf32> to vector<256x2048xf32>
    %eq3A_51 = arith.cmpf oeq, %eq3A_49, %eq3A_50 : vector<256x2048xf32>
    %and3A_52 = arith.andi %eq3A_51, %lt3A_42 : vector<256x2048xi1>
    %or3A_53 = arith.ori %gt3A_48, %and3A_52 : vector<256x2048xi1>
    %and3A_54 = arith.andi %eq3A_45, %or3A_53 : vector<256x2048xi1>
    %jit3A_55 = arith.constant 1 : i32
    %jit3A_56 = arith.constant 0 : i32
    %broadcast_in_dim3A_57 = vector.broadcast %jit3A_55 : i32 to vector<256x2048xi32>
    %broadcast_in_dim3A_58 = vector.broadcast %jit3A_56 : i32 to vector<256x2048xi32>
    %select_n3A_59 = arith.select %and3A_54, %broadcast_in_dim3A_57, %broadcast_in_dim3A_58 : vector<256x2048xi1>, vector<256x2048xi32>
    %reduce_sum3A_60 = arith.constant dense<0> : vector<256xi32>
    %reduce_sum3A_61 = vector.multi_reduction <add>, %select_n3A_59, %reduce_sum3A_60 [1] : vector<256x2048xi32> to vector<256xi32>
    %broadcast_in_dim3A_62 = vector.shape_cast %reduce_sum3A_61 : vector<256xi32> to vector<256x1xi32>
    %lt3A_63 = arith.constant 5.000010e-01 : f32
    %lt3A_64 = vector.broadcast %lt3A_63 : f32 to vector<1x2048xf32>
    %lt3A_65 = arith.cmpf olt, %get3A_22, %lt3A_64 : vector<1x2048xf32>
    %jit3A_66 = arith.constant 1 : i32
    %jit3A_67 = arith.constant 0 : i32
    %broadcast_in_dim3A_68 = vector.broadcast %jit3A_66 : i32 to vector<1x2048xi32>
    %broadcast_in_dim3A_69 = vector.broadcast %jit3A_67 : i32 to vector<1x2048xi32>
    %select_n3A_70 = arith.select %lt3A_65, %broadcast_in_dim3A_68, %broadcast_in_dim3A_69 : vector<1x2048xi1>, vector<1x2048xi32>
    %reduce_sum3A_71 = vector.shape_cast %select_n3A_70 : vector<1x2048xi32> to vector<1x1x2048xi32>
    %reduce_sum3A_72 = arith.constant dense<0> : vector<1xi32>
    %reduce_sum3A_73 = vector.multi_reduction <add>, %reduce_sum3A_71, %reduce_sum3A_72 [1, 2] : vector<1x1x2048xi32> to vector<1xi32>
    %reduce_sum3A_74 = vector.shape_cast %reduce_sum3A_73 : vector<1xi32> to vector<1x1x1xi32>
    %reduce_sum3A_75 = vector.extract %reduce_sum3A_74[0, 0, 0] : i32 from vector<1x1x1xi32>
    %gt3A_76 = arith.constant 4.999990e-01 : f32
    %gt3A_77 = vector.broadcast %gt3A_76 : f32 to vector<1x2048xf32>
    %gt3A_78 = arith.cmpf ogt, %get3A_25, %gt3A_77 : vector<1x2048xf32>
    %jit3A_79 = arith.constant 1 : i32
    %jit3A_80 = arith.constant 0 : i32
    %broadcast_in_dim3A_81 = vector.broadcast %jit3A_79 : i32 to vector<1x2048xi32>
    %broadcast_in_dim3A_82 = vector.broadcast %jit3A_80 : i32 to vector<1x2048xi32>
    %select_n3A_83 = arith.select %gt3A_78, %broadcast_in_dim3A_81, %broadcast_in_dim3A_82 : vector<1x2048xi1>, vector<1x2048xi32>
    %reduce_sum3A_84 = vector.shape_cast %select_n3A_83 : vector<1x2048xi32> to vector<1x1x2048xi32>
    %reduce_sum3A_85 = arith.constant dense<0> : vector<1xi32>
    %reduce_sum3A_86 = vector.multi_reduction <add>, %reduce_sum3A_84, %reduce_sum3A_85 [1, 2] : vector<1x1x2048xi32> to vector<1xi32>
    %reduce_sum3A_87 = vector.shape_cast %reduce_sum3A_86 : vector<1xi32> to vector<1x1x1xi32>
    %reduce_sum3A_88 = vector.extract %reduce_sum3A_87[0, 0, 0] : i32 from vector<1x1x1xi32>
    %add3A_89 = arith.addi %reduce_sum3A_75, %reduce_sum3A_88 : i32
    %gt3A_90 = arith.constant 0 : i32
    %gt3A_91 = arith.cmpi sgt, %add3A_89, %gt3A_90 : i32
    %convert_element_type3A = arith.extui %gt3A_91 : i1 to i32
    %cond3A = arith.constant 0 : i32
    %cond3A_92 = arith.cmpi ne, %convert_element_type3A, %cond3A : i32
    %cond3A_93:2 = scf.if %cond3A_92 -> (vector<256x1xi32>, vector<256x1xi32>) {
      %lt3A_173 = vector.broadcast %iota3A_2 : vector<1x2048xi32> to vector<256x2048xi32>
      %lt3A_174 = vector.broadcast %add3A_1 : vector<256x1xi32> to vector<256x2048xi32>
      %lt3A_175 = arith.cmpi slt, %lt3A_173, %lt3A_174 : vector<256x2048xi32>
      %eq3A_176 = vector.broadcast %get3A_19 : vector<1x2048xi32> to vector<256x2048xi32>
      %eq3A_177 = vector.broadcast %get3A_4 : vector<256x1xi32> to vector<256x2048xi32>
      %eq3A_178 = arith.cmpi eq, %eq3A_176, %eq3A_177 : vector<256x2048xi32>
      %gt3A_179 = vector.broadcast %get3A_25 : vector<1x2048xf32> to vector<256x2048xf32>
      %gt3A_180 = vector.broadcast %get3A_10 : vector<256x1xf32> to vector<256x2048xf32>
      %gt3A_181 = arith.cmpf ogt, %gt3A_179, %gt3A_180 : vector<256x2048xf32>
      %eq3A_182 = vector.broadcast %get3A_25 : vector<1x2048xf32> to vector<256x2048xf32>
      %eq3A_183 = vector.broadcast %get3A_10 : vector<256x1xf32> to vector<256x2048xf32>
      %eq3A_184 = arith.cmpf oeq, %eq3A_182, %eq3A_183 : vector<256x2048xf32>
      %and3A_185 = arith.andi %eq3A_184, %lt3A_175 : vector<256x2048xi1>
      %or3A_186 = arith.ori %gt3A_181, %and3A_185 : vector<256x2048xi1>
      %and3A_187 = arith.andi %eq3A_178, %or3A_186 : vector<256x2048xi1>
      %jit3A_188 = arith.constant 1 : i32
      %jit3A_189 = arith.constant 0 : i32
      %broadcast_in_dim3A_190 = vector.broadcast %jit3A_188 : i32 to vector<256x2048xi32>
      %broadcast_in_dim3A_191 = vector.broadcast %jit3A_189 : i32 to vector<256x2048xi32>
      %select_n3A_192 = arith.select %and3A_187, %broadcast_in_dim3A_190, %broadcast_in_dim3A_191 : vector<256x2048xi1>, vector<256x2048xi32>
      %reduce_sum3A_193 = arith.constant dense<0> : vector<256xi32>
      %reduce_sum3A_194 = vector.multi_reduction <add>, %select_n3A_192, %reduce_sum3A_193 [1] : vector<256x2048xi32> to vector<256xi32>
      %broadcast_in_dim3A_195 = vector.shape_cast %reduce_sum3A_194 : vector<256xi32> to vector<256x1xi32>
      %le3A = vector.broadcast %iota3A_2 : vector<1x2048xi32> to vector<256x2048xi32>
      %le3A_196 = vector.broadcast %add3A_1 : vector<256x1xi32> to vector<256x2048xi32>
      %le3A_197 = arith.cmpi sle, %le3A, %le3A_196 : vector<256x2048xi32>
      %eq3A_198 = vector.broadcast %get3A_16 : vector<1x2048xi32> to vector<256x2048xi32>
      %eq3A_199 = vector.broadcast %get3A_7 : vector<256x1xi32> to vector<256x2048xi32>
      %eq3A_200 = arith.cmpi eq, %eq3A_198, %eq3A_199 : vector<256x2048xi32>
      %gt3A_201 = vector.broadcast %get3A_22 : vector<1x2048xf32> to vector<256x2048xf32>
      %gt3A_202 = vector.broadcast %get3A_13 : vector<256x1xf32> to vector<256x2048xf32>
      %gt3A_203 = arith.cmpf ogt, %gt3A_201, %gt3A_202 : vector<256x2048xf32>
      %eq3A_204 = vector.broadcast %get3A_22 : vector<1x2048xf32> to vector<256x2048xf32>
      %eq3A_205 = vector.broadcast %get3A_13 : vector<256x1xf32> to vector<256x2048xf32>
      %eq3A_206 = arith.cmpf oeq, %eq3A_204, %eq3A_205 : vector<256x2048xf32>
      %and3A_207 = arith.andi %eq3A_206, %le3A_197 : vector<256x2048xi1>
      %or3A_208 = arith.ori %gt3A_203, %and3A_207 : vector<256x2048xi1>
      %and3A_209 = arith.andi %eq3A_200, %or3A_208 : vector<256x2048xi1>
      %jit3A_210 = arith.constant 1 : i32
      %jit3A_211 = arith.constant 0 : i32
      %broadcast_in_dim3A_212 = vector.broadcast %jit3A_210 : i32 to vector<256x2048xi32>
      %broadcast_in_dim3A_213 = vector.broadcast %jit3A_211 : i32 to vector<256x2048xi32>
      %select_n3A_214 = arith.select %and3A_209, %broadcast_in_dim3A_212, %broadcast_in_dim3A_213 : vector<256x2048xi1>, vector<256x2048xi32>
      %reduce_sum3A_215 = arith.constant dense<0> : vector<256xi32>
      %reduce_sum3A_216 = vector.multi_reduction <add>, %select_n3A_214, %reduce_sum3A_215 [1] : vector<256x2048xi32> to vector<256xi32>
      %broadcast_in_dim3A_217 = vector.shape_cast %reduce_sum3A_216 : vector<256xi32> to vector<256x1xi32>
      scf.yield %broadcast_in_dim3A_195, %broadcast_in_dim3A_217 : vector<256x1xi32>, vector<256x1xi32>
    } else {
      %broadcast_in_dim3A_173 = arith.constant 0 : i32
      %broadcast_in_dim3A_174 = vector.broadcast %broadcast_in_dim3A_173 : i32 to vector<256x1xi32>
      %iota3A_175 = tpu.iota {dimensions = array<i32: 1>} : vector<256x128xi32>
      %eq3A_176 = vector.broadcast %get3A_7 : vector<256x1xi32> to vector<256x128xi32>
      %eq3A_177 = arith.cmpi eq, %iota3A_175, %eq3A_176 : vector<256x128xi32>
      %get3A_178 = arith.constant 0 : index
      %get3A_179 = arith.constant 0 : index
      %get3A_180 = vector.load %arg10[%get3A_178, %get3A_179] : memref<1x128xi32, #tpu.memory_space<vmem>>, vector<1x128xi32>
      %jit3A_181 = arith.constant 0 : i32
      %broadcast_in_dim3A_182 = vector.shape_cast %get3A_180 : vector<1x128xi32> to vector<1x128xi32>
      %broadcast_in_dim3A_183 = vector.broadcast %broadcast_in_dim3A_182 : vector<1x128xi32> to vector<256x128xi32>
      %broadcast_in_dim3A_184 = vector.broadcast %jit3A_181 : i32 to vector<256x128xi32>
      %select_n3A_185 = arith.select %eq3A_177, %broadcast_in_dim3A_183, %broadcast_in_dim3A_184 : vector<256x128xi1>, vector<256x128xi32>
      %reduce_sum3A_186 = arith.constant dense<0> : vector<256xi32>
      %reduce_sum3A_187 = vector.multi_reduction <add>, %select_n3A_185, %reduce_sum3A_186 [1] : vector<256x128xi32> to vector<256xi32>
      %broadcast_in_dim3A_188 = vector.shape_cast %reduce_sum3A_187 : vector<256xi32> to vector<256x1xi32>
      scf.yield %broadcast_in_dim3A_174, %broadcast_in_dim3A_188 : vector<256x1xi32>, vector<256x1xi32>
    }
    %add3A_94 = arith.addi %broadcast_in_dim3A_39, %cond3A_93#0 : vector<256x1xi32>
    %add3A_95 = arith.addi %broadcast_in_dim3A_62, %cond3A_93#1 : vector<256x1xi32>
    %lt3A_96 = arith.constant 256 : i32
    %lt3A_97 = vector.broadcast %lt3A_96 : i32 to vector<256x1xi32>
    %lt3A_98 = arith.cmpi slt, %add3A_94, %lt3A_97 : vector<256x1xi32>
    %lt3A_99 = arith.constant 256 : i32
    %lt3A_100 = vector.broadcast %lt3A_99 : i32 to vector<256x1xi32>
    %lt3A_101 = arith.cmpi slt, %add3A_95, %lt3A_100 : vector<256x1xi32>
    %mul3A_102 = arith.constant 256 : i32
    %mul3A_103 = vector.broadcast %mul3A_102 : i32 to vector<256x1xi32>
    %mul3A_104 = arith.muli %get3A_4, %mul3A_103 : vector<256x1xi32>
    %add3A_105 = arith.addi %mul3A_104, %add3A_94 : vector<256x1xi32>
    %jit3A_106 = arith.constant 1048576 : i32
    %broadcast_in_dim3A_107 = vector.broadcast %jit3A_106 : i32 to vector<256x1xi32>
    %select_n3A_108 = arith.select %lt3A_98, %add3A_105, %broadcast_in_dim3A_107 : vector<256x1xi1>, vector<256x1xi32>
    %mul3A_109 = arith.constant 256 : i32
    %mul3A_110 = vector.broadcast %mul3A_109 : i32 to vector<256x1xi32>
    %mul3A_111 = arith.muli %get3A_7, %mul3A_110 : vector<256x1xi32>
    %add3A_112 = arith.addi %mul3A_111, %add3A_95 : vector<256x1xi32>
    %jit3A_113 = arith.constant 1048576 : i32
    %broadcast_in_dim3A_114 = vector.broadcast %jit3A_113 : i32 to vector<256x1xi32>
    %select_n3A_115 = arith.select %lt3A_101, %add3A_112, %broadcast_in_dim3A_114 : vector<256x1xi1>, vector<256x1xi32>
    %jit3A_116 = arith.constant 0.000000e+00 : f32
    %broadcast_in_dim3A_117 = vector.broadcast %jit3A_116 : f32 to vector<256x1xf32>
    %select_n3A_118 = arith.select %lt3A_98, %get3A_10, %broadcast_in_dim3A_117 : vector<256x1xi1>, vector<256x1xf32>
    %jit3A_119 = arith.constant 0.000000e+00 : f32
    %broadcast_in_dim3A_120 = vector.broadcast %jit3A_119 : f32 to vector<256x1xf32>
    %select_n3A_121 = arith.select %lt3A_101, %get3A_13, %broadcast_in_dim3A_120 : vector<256x1xi1>, vector<256x1xf32>
    %swap3A = arith.constant 0 : index
    %swap3A_122 = arith.constant 0 : index
    %swap3A_123 = vector.load %arg11[%swap3A, %swap3A_122] : memref<256x1xi32, #tpu.memory_space<vmem>>, vector<256x1xi32>
    tpu.vector_store %arg11[%swap3A, %swap3A_122], %select_n3A_108 {strides = array<i32>} : memref<256x1xi32, #tpu.memory_space<vmem>>, vector<256x1xi32>,
    %swap3A_124 = arith.constant 0 : index
    %swap3A_125 = arith.constant 0 : index
    %swap3A_126 = vector.load %arg12[%swap3A_124, %swap3A_125] : memref<256x1xi32, #tpu.memory_space<vmem>>, vector<256x1xi32>
    tpu.vector_store %arg12[%swap3A_124, %swap3A_125], %select_n3A_115 {strides = array<i32>} : memref<256x1xi32, #tpu.memory_space<vmem>>, vector<256x1xi32>,
    %swap3A_127 = arith.constant 0 : index
    %swap3A_128 = arith.constant 0 : index
    %swap3A_129 = vector.load %arg13[%swap3A_127, %swap3A_128] : memref<256x1xf32, #tpu.memory_space<vmem>>, vector<256x1xf32>
    tpu.vector_store %arg13[%swap3A_127, %swap3A_128], %select_n3A_118 {strides = array<i32>} : memref<256x1xf32, #tpu.memory_space<vmem>>, vector<256x1xf32>,
    %swap3A_130 = arith.constant 0 : index
    %swap3A_131 = arith.constant 0 : index
    %swap3A_132 = vector.load %arg14[%swap3A_130, %swap3A_131] : memref<256x1xf32, #tpu.memory_space<vmem>>, vector<256x1xf32>
    tpu.vector_store %arg14[%swap3A_130, %swap3A_131], %select_n3A_121 {strides = array<i32>} : memref<256x1xf32, #tpu.memory_space<vmem>>, vector<256x1xf32>,
    %jit3A_133 = arith.constant 2048 : i32
    %broadcast_in_dim3A_134 = vector.broadcast %jit3A_133 : i32 to vector<256x1xi32>
    %select_n3A_135 = arith.select %lt3A_98, %select_n3A_108, %broadcast_in_dim3A_134 : vector<256x1xi1>, vector<256x1xi32>
    %swap3A_136 = arith.constant 0 : index
    %swap3A_137 = arith.constant 0 : index
    %swap3A_138 = vector.load %arg15[%swap3A_136, %swap3A_137] : memref<256x1xi32, #tpu.memory_space<vmem>>, vector<256x1xi32>
    tpu.vector_store %arg15[%swap3A_136, %swap3A_137], %select_n3A_135 {strides = array<i32>} : memref<256x1xi32, #tpu.memory_space<vmem>>, vector<256x1xi32>,
    %jit3A_139 = arith.constant 2048 : i32
    %broadcast_in_dim3A_140 = vector.broadcast %jit3A_139 : i32 to vector<256x1xi32>
    %select_n3A_141 = arith.select %lt3A_101, %select_n3A_115, %broadcast_in_dim3A_140 : vector<256x1xi1>, vector<256x1xi32>
    %swap3A_142 = arith.constant 0 : index
    %swap3A_143 = arith.constant 0 : index
    %swap3A_144 = vector.load %arg16[%swap3A_142, %swap3A_143] : memref<256x1xi32, #tpu.memory_space<vmem>>, vector<256x1xi32>
    tpu.vector_store %arg16[%swap3A_142, %swap3A_143], %select_n3A_141 {strides = array<i32>} : memref<256x1xi32, #tpu.memory_space<vmem>>, vector<256x1xi32>,
    %iota3A_145 = tpu.iota {dimensions = array<i32: 1>} : vector<256x128xi32>
    %eq3A_146 = vector.broadcast %get3A_4 : vector<256x1xi32> to vector<256x128xi32>
    %eq3A_147 = arith.cmpi eq, %iota3A_145, %eq3A_146 : vector<256x128xi32>
    %and3A_148 = vector.broadcast %lt3A_98 : vector<256x1xi1> to vector<256x128xi1>
    %and3A_149 = arith.andi %eq3A_147, %and3A_148 : vector<256x128xi1>
    %jit3A_150 = arith.constant 1.000000e+00 : f32
    %jit3A_151 = arith.constant 0.000000e+00 : f32
    %broadcast_in_dim3A_152 = vector.broadcast %jit3A_150 : f32 to vector<256x128xf32>
    %broadcast_in_dim3A_153 = vector.broadcast %jit3A_151 : f32 to vector<256x128xf32>
    %select_n3A_154 = arith.select %and3A_149, %broadcast_in_dim3A_152, %broadcast_in_dim3A_153 : vector<256x128xi1>, vector<256x128xf32>
    %reduce_sum3A_155 = arith.constant dense<0.000000e+00> : vector<128xf32>
    %reduce_sum3A_156 = vector.multi_reduction <add>, %select_n3A_154, %reduce_sum3A_155 [0] : vector<256x128xf32> to vector<128xf32>
    %broadcast_in_dim3A_157 = vector.shape_cast %reduce_sum3A_156 : vector<128xf32> to vector<1x128xf32>
    %eq3A_158 = arith.constant 0 : i32
    %eq3A_159 = arith.cmpi eq, %arg0, %eq3A_158 : i32
    %get3A_160 = arith.constant 0 : index
    %get3A_161 = arith.constant 0 : index
    %get3A_162 = vector.load %arg18[%get3A_160, %get3A_161] : memref<1x128xf32, #tpu.memory_space<vmem>>, vector<1x128xf32>
    %add3A_163 = arith.addf %get3A_162, %broadcast_in_dim3A_157 : vector<1x128xf32>
    %select_n3A_164 = arith.select %eq3A_159, %broadcast_in_dim3A_157, %add3A_163 : vector<1x128xf32>
    %swap3A_165 = arith.constant 0 : index
    %swap3A_166 = arith.constant 0 : index
    %swap3A_167 = vector.load %arg18[%swap3A_165, %swap3A_166] : memref<1x128xf32, #tpu.memory_space<vmem>>, vector<1x128xf32>
    tpu.vector_store %arg18[%swap3A_165, %swap3A_166], %select_n3A_164 {strides = array<i32>} : memref<1x128xf32, #tpu.memory_space<vmem>>, vector<1x128xf32>,
    %eq3A_168 = arith.constant 7 : i32
    %eq3A_169 = arith.cmpi eq, %arg0, %eq3A_168 : i32
    %convert_element_type3A_170 = arith.extui %eq3A_169 : i1 to i32
    %cond3A_171 = arith.constant 0 : i32
    %cond3A_172 = arith.cmpi ne, %convert_element_type3A_170, %cond3A_171 : i32
    scf.if %cond3A_172 {
      %get3A_173 = arith.constant 0 : index
      %get3A_174 = arith.constant 0 : index
      %get3A_175 = vector.load %arg9[%get3A_173, %get3A_174] : memref<1x128xf32, #tpu.memory_space<vmem>>, vector<1x128xf32>
      %mul3A_176 = arith.mulf %get3A_175, %select_n3A_164 : vector<1x128xf32>
      %reduce_sum3A_177 = arith.constant dense<0.000000e+00> : vector<1xf32>
      %reduce_sum3A_178 = vector.multi_reduction <add>, %mul3A_176, %reduce_sum3A_177 [1] : vector<1x128xf32> to vector<1xf32>
      %broadcast_in_dim3A_179 = vector.shape_cast %reduce_sum3A_178 : vector<1xf32> to vector<1x1xf32>
      %mul3A_180 = arith.constant 6.10351549E-7 : f32
      %mul3A_181 = vector.broadcast %mul3A_180 : f32 to vector<1x1xf32>
      %mul3A_182 = arith.mulf %broadcast_in_dim3A_179, %mul3A_181 : vector<1x1xf32>
      %swap3A_183 = arith.constant 0 : index
      %swap3A_184 = arith.constant 0 : index
      %swap3A_185 = vector.load %arg17[%swap3A_183, %swap3A_184] : memref<1x1xf32, #tpu.memory_space<vmem>>, vector<1x1xf32>
      tpu.vector_store %arg17[%swap3A_183, %swap3A_184], %mul3A_182 {strides = array<i32>} : memref<1x1xf32, #tpu.memory_space<vmem>>, vector<1x1xf32>,
    } else {
    }
    return
  }
  func.func @transform_0(%arg0: i32) -> (i32, i32) {
    %c0_i32 = arith.constant 0 : i32
    %c0_i32_0 = arith.constant 0 : i32
    return %arg0, %c0_i32 : i32, i32
  }
  func.func @transform_1(%arg0: i32) -> (i32, i32) {
    %c0_i32 = arith.constant 0 : i32
    %c0_i32_0 = arith.constant 0 : i32
    return %arg0, %c0_i32 : i32, i32
  }
  func.func @transform_2(%arg0: i32) -> (i32, i32) {
    %c0_i32 = arith.constant 0 : i32
    %c0_i32_0 = arith.constant 0 : i32
    return %arg0, %c0_i32 : i32, i32
  }
  func.func @transform_3(%arg0: i32) -> (i32, i32) {
    %c0_i32 = arith.constant 0 : i32
    %c0_i32_0 = arith.constant 0 : i32
    return %arg0, %c0_i32 : i32, i32
  }
  func.func @transform_4(%arg0: i32) -> (i32, i32) {
    %c0_i32 = arith.constant 0 : i32
    %c0_i32_0 = arith.constant 0 : i32
    %c0_i32_1 = arith.constant 0 : i32
    return %c0_i32, %c0_i32_0 : i32, i32
  }
  func.func @transform_5(%arg0: i32) -> (i32, i32) {
    %c0_i32 = arith.constant 0 : i32
    %c0_i32_0 = arith.constant 0 : i32
    %c0_i32_1 = arith.constant 0 : i32
    return %c0_i32, %c0_i32_0 : i32, i32
  }
  func.func @transform_6(%arg0: i32) -> (i32, i32) {
    %c0_i32 = arith.constant 0 : i32
    %c0_i32_0 = arith.constant 0 : i32
    %c0_i32_1 = arith.constant 0 : i32
    return %c0_i32, %c0_i32_0 : i32, i32
  }
  func.func @transform_7(%arg0: i32) -> (i32, i32) {
    %c0_i32 = arith.constant 0 : i32
    %c0_i32_0 = arith.constant 0 : i32
    %c0_i32_1 = arith.constant 0 : i32
    return %c0_i32, %c0_i32_0 : i32, i32
  }
  func.func @transform_8(%arg0: i32) -> (i32, i32) {
    %c0_i32 = arith.constant 0 : i32
    %c0_i32_0 = arith.constant 0 : i32
    %c0_i32_1 = arith.constant 0 : i32
    return %c0_i32, %c0_i32_0 : i32, i32
  }
  func.func @transform_9(%arg0: i32) -> (i32, i32) {
    %c0_i32 = arith.constant 0 : i32
    %c0_i32_0 = arith.constant 0 : i32
    %c0_i32_1 = arith.constant 0 : i32
    return %c0_i32, %c0_i32_0 : i32, i32
  }
  func.func @transform_10(%arg0: i32) -> (i32, i32) {
    %c0_i32 = arith.constant 0 : i32
    %c0_i32_0 = arith.constant 0 : i32
    return %arg0, %c0_i32 : i32, i32
  }
  func.func @transform_11(%arg0: i32) -> (i32, i32) {
    %c0_i32 = arith.constant 0 : i32
    %c0_i32_0 = arith.constant 0 : i32
    return %arg0, %c0_i32 : i32, i32
  }
  func.func @transform_12(%arg0: i32) -> (i32, i32) {
    %c0_i32 = arith.constant 0 : i32
    %c0_i32_0 = arith.constant 0 : i32
    return %arg0, %c0_i32 : i32, i32
  }
  func.func @transform_13(%arg0: i32) -> (i32, i32) {
    %c0_i32 = arith.constant 0 : i32
    %c0_i32_0 = arith.constant 0 : i32
    return %arg0, %c0_i32 : i32, i32
  }
  func.func @transform_14(%arg0: i32) -> (i32, i32) {
    %c0_i32 = arith.constant 0 : i32
    %c0_i32_0 = arith.constant 0 : i32
    return %arg0, %c0_i32 : i32, i32
  }
  func.func @transform_15(%arg0: i32) -> (i32, i32) {
    %c0_i32 = arith.constant 0 : i32
    %c0_i32_0 = arith.constant 0 : i32
    return %arg0, %c0_i32 : i32, i32
  }
  func.func @transform_16(%arg0: i32) -> (i32, i32) {
    %c0_i32 = arith.constant 0 : i32
    %c0_i32_0 = arith.constant 0 : i32
    %c0_i32_1 = arith.constant 0 : i32
    return %c0_i32, %c0_i32_0 : i32, i32
  }
}

module attributes {stable_mosaic.version = 14 : i64} {
  func.func @_ffn_body(%arg0: i32, %arg1: i32, %arg2: memref<2048x768xf32, #tpu.memory_space<vmem>>, %arg3: memref<1x1024x768xf32, #tpu.memory_space<vmem>>, %arg4: memref<1x1024x768xf32, #tpu.memory_space<vmem>>, %arg5: memref<1x768x1024xf32, #tpu.memory_space<vmem>>, %arg6: memref<1x2048xi32, #tpu.memory_space<vmem>>, %arg7: memref<1x2048xi32, #tpu.memory_space<vmem>>, %arg8: memref<1x2048xf32, #tpu.memory_space<vmem>>, %arg9: memref<1x2048xf32, #tpu.memory_space<vmem>>, %arg10: memref<256x768xf32, #tpu.memory_space<vmem>>, %arg11: memref<256x768xf32, #tpu.memory_space<vmem>>, %arg12: memref<256x1xf32, #tpu.memory_space<vmem>>) attributes {dimension_semantics = [#tpu.dimension_semantics<arbitrary>, #tpu.dimension_semantics<arbitrary>], iteration_bounds = array<i64: 9, 2>, scalar_prefetch = 0 : i64, scratch_operands = 2 : i64, tpu.core_type = #tpu.core_type<tc>, window_params = [{pipeline_mode = #tpu.pipeline_mode<synchronous>, transform_indices = @transform_0, window_bounds = array<i64: 2048, 768>}, {transform_indices = @transform_1, window_bounds = array<i64: 1, 1024, 768>}, {transform_indices = @transform_2, window_bounds = array<i64: 1, 1024, 768>}, {transform_indices = @transform_3, window_bounds = array<i64: 1, 768, 1024>}, {pipeline_mode = #tpu.pipeline_mode<synchronous>, transform_indices = @transform_4, window_bounds = array<i64: 1, 2048>}, {pipeline_mode = #tpu.pipeline_mode<synchronous>, transform_indices = @transform_5, window_bounds = array<i64: 1, 2048>}, {pipeline_mode = #tpu.pipeline_mode<synchronous>, transform_indices = @transform_6, window_bounds = array<i64: 1, 2048>}, {pipeline_mode = #tpu.pipeline_mode<synchronous>, transform_indices = @transform_7, window_bounds = array<i64: 1, 2048>}, {transform_indices = @transform_8, window_bounds = array<i64: 256, 768>}]} {
    %eq3A = arith.constant 8 : i32
    %eq3A_0 = arith.cmpi eq, %arg0, %eq3A : i32
    %convert_element_type3A = arith.extui %eq3A_0 : i1 to i32
    %cond3A = arith.constant 0 : i32
    %cond3A_1 = arith.cmpi ne, %convert_element_type3A, %cond3A : i32
    scf.if %cond3A_1 {
      %broadcast_in_dim3A = arith.constant 0.000000e+00 : f32
      %broadcast_in_dim3A_6 = vector.broadcast %broadcast_in_dim3A : f32 to vector<256x768xf32>
      %swap3A = arith.constant 0 : index
      %swap3A_7 = arith.constant 0 : index
      %swap3A_8 = vector.load %arg10[%swap3A, %swap3A_7] : memref<256x768xf32, #tpu.memory_space<vmem>>, vector<256x768xf32>
      tpu.vector_store %arg10[%swap3A, %swap3A_7], %broadcast_in_dim3A_6 {strides = array<i32>} : memref<256x768xf32, #tpu.memory_space<vmem>>, vector<256x768xf32>,
    } else {
    }
    %lt3A = arith.constant 8 : i32
    %lt3A_2 = arith.cmpi slt, %arg0, %lt3A : i32
    %convert_element_type3A_3 = arith.extui %lt3A_2 : i1 to i32
    %cond3A_4 = arith.constant 0 : i32
    %cond3A_5 = arith.cmpi ne, %convert_element_type3A_3, %cond3A_4 : i32
    scf.if %cond3A_5 {
      %eq3A_6 = arith.constant 0 : i32
      %eq3A_7 = arith.cmpi eq, %arg1, %eq3A_6 : i32
      %convert_element_type3A_8 = arith.extui %eq3A_7 : i1 to i32
      %cond3A_9 = arith.constant 0 : i32
      %cond3A_10 = arith.cmpi ne, %convert_element_type3A_8, %cond3A_9 : i32
      scf.if %cond3A_10 {
        %mul3A_60 = arith.constant 256 : i32
        %mul3A_61 = arith.muli %arg0, %mul3A_60 : i32
        %iota3A = tpu.iota {dimensions = array<i32: 0>} : vector<256x1xi32>
        %add3A = vector.broadcast %mul3A_61 : i32 to vector<256x1xi32>
        %add3A_62 = arith.addi %add3A, %iota3A : vector<256x1xi32>
        %get3A_63 = arith.constant 0 : index
        %get3A_64 = arith.constant 0 : index
        %get3A_65 = vector.load %arg6[%get3A_63, %get3A_64] : memref<1x2048xi32, #tpu.memory_space<vmem>>, vector<1x2048xi32>
        %eq3A_66 = vector.broadcast %get3A_65 : vector<1x2048xi32> to vector<256x2048xi32>
        %eq3A_67 = vector.broadcast %add3A_62 : vector<256x1xi32> to vector<256x2048xi32>
        %eq3A_68 = arith.cmpi eq, %eq3A_66, %eq3A_67 : vector<256x2048xi32>
        %get3A_69 = arith.constant 0 : index
        %get3A_70 = arith.constant 0 : index
        %get3A_71 = vector.load %arg7[%get3A_69, %get3A_70] : memref<1x2048xi32, #tpu.memory_space<vmem>>, vector<1x2048xi32>
        %eq3A_72 = vector.broadcast %get3A_71 : vector<1x2048xi32> to vector<256x2048xi32>
        %eq3A_73 = vector.broadcast %add3A_62 : vector<256x1xi32> to vector<256x2048xi32>
        %eq3A_74 = arith.cmpi eq, %eq3A_72, %eq3A_73 : vector<256x2048xi32>
        %or3A = arith.ori %eq3A_68, %eq3A_74 : vector<256x2048xi1>
        %jit3A = arith.constant 1.000000e+00 : f32
        %jit3A_75 = arith.constant 0.000000e+00 : f32
        %broadcast_in_dim3A = vector.broadcast %jit3A : f32 to vector<256x2048xf32>
        %broadcast_in_dim3A_76 = vector.broadcast %jit3A_75 : f32 to vector<256x2048xf32>
        %select_n3A = arith.select %or3A, %broadcast_in_dim3A, %broadcast_in_dim3A_76 : vector<256x2048xi1>, vector<256x2048xf32>
        %convert_element_type3A_77 = arith.truncf %select_n3A : vector<256x2048xf32> to vector<256x2048xbf16>
        %get3A_78 = arith.constant 0 : index
        %get3A_79 = arith.constant 0 : index
        %get3A_80 = vector.load %arg2[%get3A_78, %get3A_79] : memref<2048x768xf32, #tpu.memory_space<vmem>>, vector<2048x768xf32>
        %convert_element_type3A_81 = arith.truncf %get3A_80 : vector<2048x768xf32> to vector<2048x768xbf16>
        %dot_general3A_82 = arith.constant dense<0.000000e+00> : vector<256x768xf32>
        %dot_general3A_83 = tpu.matmul %convert_element_type3A_77, %convert_element_type3A_81, %dot_general3A_82 {dimension_numbers = #tpu.dot_dimension_numbers<[1], [0], [0], [1], [0, 0, 1, 1], [], []>, transpose_lhs_hint = false} : vector<256x2048xbf16>, vector<2048x768xbf16>, vector<256x768xf32> -> vector<256x768xf32>
        %swap3A = arith.constant 0 : index
        %swap3A_84 = arith.constant 0 : index
        %swap3A_85 = vector.load %arg11[%swap3A, %swap3A_84] : memref<256x768xf32, #tpu.memory_space<vmem>>, vector<256x768xf32>
        tpu.vector_store %arg11[%swap3A, %swap3A_84], %dot_general3A_83 {strides = array<i32>} : memref<256x768xf32, #tpu.memory_space<vmem>>, vector<256x768xf32>,
        %get3A_86 = arith.constant 0 : index
        %get3A_87 = arith.constant 0 : index
        %get3A_88 = vector.load %arg6[%get3A_86, %get3A_87] : memref<1x2048xi32, #tpu.memory_space<vmem>>, vector<1x2048xi32>
        %eq3A_89 = vector.broadcast %get3A_88 : vector<1x2048xi32> to vector<256x2048xi32>
        %eq3A_90 = vector.broadcast %add3A_62 : vector<256x1xi32> to vector<256x2048xi32>
        %eq3A_91 = arith.cmpi eq, %eq3A_89, %eq3A_90 : vector<256x2048xi32>
        %get3A_92 = arith.constant 0 : index
        %get3A_93 = arith.constant 0 : index
        %get3A_94 = vector.load %arg8[%get3A_92, %get3A_93] : memref<1x2048xf32, #tpu.memory_space<vmem>>, vector<1x2048xf32>
        %jit3A_95 = arith.constant 0.000000e+00 : f32
        %broadcast_in_dim3A_96 = vector.shape_cast %get3A_94 : vector<1x2048xf32> to vector<1x2048xf32>
        %broadcast_in_dim3A_97 = vector.broadcast %broadcast_in_dim3A_96 : vector<1x2048xf32> to vector<256x2048xf32>
        %broadcast_in_dim3A_98 = vector.broadcast %jit3A_95 : f32 to vector<256x2048xf32>
        %select_n3A_99 = arith.select %eq3A_91, %broadcast_in_dim3A_97, %broadcast_in_dim3A_98 : vector<256x2048xi1>, vector<256x2048xf32>
        %get3A_100 = arith.constant 0 : index
        %get3A_101 = arith.constant 0 : index
        %get3A_102 = vector.load %arg7[%get3A_100, %get3A_101] : memref<1x2048xi32, #tpu.memory_space<vmem>>, vector<1x2048xi32>
        %eq3A_103 = vector.broadcast %get3A_102 : vector<1x2048xi32> to vector<256x2048xi32>
        %eq3A_104 = vector.broadcast %add3A_62 : vector<256x1xi32> to vector<256x2048xi32>
        %eq3A_105 = arith.cmpi eq, %eq3A_103, %eq3A_104 : vector<256x2048xi32>
        %get3A_106 = arith.constant 0 : index
        %get3A_107 = arith.constant 0 : index
        %get3A_108 = vector.load %arg9[%get3A_106, %get3A_107] : memref<1x2048xf32, #tpu.memory_space<vmem>>, vector<1x2048xf32>
        %jit3A_109 = arith.constant 0.000000e+00 : f32
        %broadcast_in_dim3A_110 = vector.shape_cast %get3A_108 : vector<1x2048xf32> to vector<1x2048xf32>
        %broadcast_in_dim3A_111 = vector.broadcast %broadcast_in_dim3A_110 : vector<1x2048xf32> to vector<256x2048xf32>
        %broadcast_in_dim3A_112 = vector.broadcast %jit3A_109 : f32 to vector<256x2048xf32>
        %select_n3A_113 = arith.select %eq3A_105, %broadcast_in_dim3A_111, %broadcast_in_dim3A_112 : vector<256x2048xi1>, vector<256x2048xf32>
        %add3A_114 = arith.addf %select_n3A_99, %select_n3A_113 : vector<256x2048xf32>
        %reduce_sum3A = arith.constant dense<0.000000e+00> : vector<256xf32>
        %reduce_sum3A_115 = vector.multi_reduction <add>, %add3A_114, %reduce_sum3A [1] : vector<256x2048xf32> to vector<256xf32>
        %broadcast_in_dim3A_116 = vector.shape_cast %reduce_sum3A_115 : vector<256xf32> to vector<256x1xf32>
        %swap3A_117 = arith.constant 0 : index
        %swap3A_118 = arith.constant 0 : index
        %swap3A_119 = vector.load %arg12[%swap3A_117, %swap3A_118] : memref<256x1xf32, #tpu.memory_space<vmem>>, vector<256x1xf32>
        tpu.vector_store %arg12[%swap3A_117, %swap3A_118], %broadcast_in_dim3A_116 {strides = array<i32>} : memref<256x1xf32, #tpu.memory_space<vmem>>, vector<256x1xf32>,
      } else {
      }
      %get3A = arith.constant 0 : index
      %get3A_11 = arith.constant 0 : index
      %get3A_12 = vector.load %arg11[%get3A, %get3A_11] : memref<256x768xf32, #tpu.memory_space<vmem>>, vector<256x768xf32>
      %convert_element_type3A_13 = arith.truncf %get3A_12 : vector<256x768xf32> to vector<256x768xbf16>
      %get3A_14 = arith.constant 0 : index
      %get3A_15 = arith.constant 0 : index
      %get3A_16 = arith.constant 0 : index
      %get3A_17 = vector.load %arg3[%get3A_14, %get3A_15, %get3A_16] : memref<1x1024x768xf32, #tpu.memory_space<vmem>>, vector<1x1024x768xf32>
      %get3A_18 = vector.shape_cast %get3A_17 : vector<1x1024x768xf32> to vector<1024x768xf32>
      %convert_element_type3A_19 = arith.truncf %get3A_18 : vector<1024x768xf32> to vector<1024x768xbf16>
      %dot_general3A = arith.constant dense<0.000000e+00> : vector<256x1024xf32>
      %dot_general3A_20 = tpu.matmul %convert_element_type3A_13, %convert_element_type3A_19, %dot_general3A {dimension_numbers = #tpu.dot_dimension_numbers<[1], [1], [0], [0], [0, 0, 1, 0], [], []>, transpose_lhs_hint = false} : vector<256x768xbf16>, vector<1024x768xbf16>, vector<256x1024xf32> -> vector<256x1024xf32>
      %get3A_21 = arith.constant 0 : index
      %get3A_22 = arith.constant 0 : index
      %get3A_23 = arith.constant 0 : index
      %get3A_24 = vector.load %arg4[%get3A_21, %get3A_22, %get3A_23] : memref<1x1024x768xf32, #tpu.memory_space<vmem>>, vector<1x1024x768xf32>
      %get3A_25 = vector.shape_cast %get3A_24 : vector<1x1024x768xf32> to vector<1024x768xf32>
      %convert_element_type3A_26 = arith.truncf %get3A_25 : vector<1024x768xf32> to vector<1024x768xbf16>
      %dot_general3A_27 = arith.constant dense<0.000000e+00> : vector<256x1024xf32>
      %dot_general3A_28 = tpu.matmul %convert_element_type3A_13, %convert_element_type3A_26, %dot_general3A_27 {dimension_numbers = #tpu.dot_dimension_numbers<[1], [1], [0], [0], [0, 0, 1, 0], [], []>, transpose_lhs_hint = false} : vector<256x768xbf16>, vector<1024x768xbf16>, vector<256x1024xf32> -> vector<256x1024xf32>
      %logistic3A = arith.negf %dot_general3A_20 : vector<256x1024xf32>
      %logistic3A_29 = math.exp %logistic3A : vector<256x1024xf32>
      %logistic3A_30 = arith.constant 1.000000e+00 : f32
      %logistic3A_31 = vector.broadcast %logistic3A_30 : f32 to vector<256x1024xf32>
      %logistic3A_32 = arith.addf %logistic3A_31, %logistic3A_29 : vector<256x1024xf32>
      %logistic3A_33 = arith.divf %logistic3A_31, %logistic3A_32 : vector<256x1024xf32>
      %mul3A = arith.mulf %dot_general3A_20, %logistic3A_33 : vector<256x1024xf32>
      %mul3A_34 = arith.mulf %mul3A, %dot_general3A_28 : vector<256x1024xf32>
      %convert_element_type3A_35 = arith.truncf %mul3A_34 : vector<256x1024xf32> to vector<256x1024xbf16>
      %get3A_36 = arith.constant 0 : index
      %get3A_37 = arith.constant 0 : index
      %get3A_38 = arith.constant 0 : index
      %get3A_39 = vector.load %arg5[%get3A_36, %get3A_37, %get3A_38] : memref<1x768x1024xf32, #tpu.memory_space<vmem>>, vector<1x768x1024xf32>
      %get3A_40 = vector.shape_cast %get3A_39 : vector<1x768x1024xf32> to vector<768x1024xf32>
      %convert_element_type3A_41 = arith.truncf %get3A_40 : vector<768x1024xf32> to vector<768x1024xbf16>
      %dot_general3A_42 = arith.constant dense<0.000000e+00> : vector<256x768xf32>
      %dot_general3A_43 = tpu.matmul %convert_element_type3A_35, %convert_element_type3A_41, %dot_general3A_42 {dimension_numbers = #tpu.dot_dimension_numbers<[1], [1], [0], [0], [0, 0, 1, 0], [], []>, transpose_lhs_hint = false} : vector<256x1024xbf16>, vector<768x1024xbf16>, vector<256x768xf32> -> vector<256x768xf32>
      %eq3A_44 = arith.constant 0 : i32
      %eq3A_45 = arith.cmpi eq, %arg1, %eq3A_44 : i32
      %convert_element_type3A_46 = arith.extui %eq3A_45 : i1 to i32
      %cond3A_47 = arith.constant 0 : i32
      %cond3A_48 = arith.cmpi ne, %convert_element_type3A_46, %cond3A_47 : i32
      scf.if %cond3A_48 {
        %swap3A = arith.constant 0 : index
        %swap3A_60 = arith.constant 0 : index
        %swap3A_61 = vector.load %arg10[%swap3A, %swap3A_60] : memref<256x768xf32, #tpu.memory_space<vmem>>, vector<256x768xf32>
        tpu.vector_store %arg10[%swap3A, %swap3A_60], %dot_general3A_43 {strides = array<i32>} : memref<256x768xf32, #tpu.memory_space<vmem>>, vector<256x768xf32>,
      } else {
      }
      %gt3A = arith.constant 0 : i32
      %gt3A_49 = arith.cmpi sgt, %arg1, %gt3A : i32
      %lt3A_50 = arith.constant 1 : i32
      %lt3A_51 = arith.cmpi slt, %arg1, %lt3A_50 : i32
      %and3A = arith.andi %gt3A_49, %lt3A_51 : i1
      %convert_element_type3A_52 = arith.extui %and3A : i1 to i32
      %cond3A_53 = arith.constant 0 : i32
      %cond3A_54 = arith.cmpi ne, %convert_element_type3A_52, %cond3A_53 : i32
      scf.if %cond3A_54 {
        %get3A_60 = arith.constant 0 : index
        %get3A_61 = arith.constant 0 : index
        %get3A_62 = vector.load %arg10[%get3A_60, %get3A_61] : memref<256x768xf32, #tpu.memory_space<vmem>>, vector<256x768xf32>
        %add3A = arith.addf %get3A_62, %dot_general3A_43 : vector<256x768xf32>
        %swap3A = arith.constant 0 : index
        %swap3A_63 = arith.constant 0 : index
        %swap3A_64 = vector.load %arg10[%swap3A, %swap3A_63] : memref<256x768xf32, #tpu.memory_space<vmem>>, vector<256x768xf32>
        tpu.vector_store %arg10[%swap3A, %swap3A_63], %add3A {strides = array<i32>} : memref<256x768xf32, #tpu.memory_space<vmem>>, vector<256x768xf32>,
      } else {
      }
      %eq3A_55 = arith.constant 1 : i32
      %eq3A_56 = arith.cmpi eq, %arg1, %eq3A_55 : i32
      %convert_element_type3A_57 = arith.extui %eq3A_56 : i1 to i32
      %cond3A_58 = arith.constant 0 : i32
      %cond3A_59 = arith.cmpi ne, %convert_element_type3A_57, %cond3A_58 : i32
      scf.if %cond3A_59 {
        %get3A_60 = arith.constant 0 : index
        %get3A_61 = arith.constant 0 : index
        %get3A_62 = vector.load %arg10[%get3A_60, %get3A_61] : memref<256x768xf32, #tpu.memory_space<vmem>>, vector<256x768xf32>
        %add3A = arith.addf %get3A_62, %dot_general3A_43 : vector<256x768xf32>
        %get3A_63 = arith.constant 0 : index
        %get3A_64 = arith.constant 0 : index
        %get3A_65 = vector.load %arg12[%get3A_63, %get3A_64] : memref<256x1xf32, #tpu.memory_space<vmem>>, vector<256x1xf32>
        %mul3A_66 = vector.broadcast %get3A_65 : vector<256x1xf32> to vector<256x768xf32>
        %mul3A_67 = arith.mulf %add3A, %mul3A_66 : vector<256x768xf32>
        %swap3A = arith.constant 0 : index
        %swap3A_68 = arith.constant 0 : index
        %swap3A_69 = vector.load %arg10[%swap3A, %swap3A_68] : memref<256x768xf32, #tpu.memory_space<vmem>>, vector<256x768xf32>
        tpu.vector_store %arg10[%swap3A, %swap3A_68], %mul3A_67 {strides = array<i32>} : memref<256x768xf32, #tpu.memory_space<vmem>>, vector<256x768xf32>,
      } else {
      }
    } else {
    }
    return
  }
  func.func @transform_0(%arg0: i32, %arg1: i32) -> (i32, i32) {
    %c0_i32 = arith.constant 0 : i32
    %c0_i32_0 = arith.constant 0 : i32
    %c0_i32_1 = arith.constant 0 : i32
    return %c0_i32, %c0_i32_0 : i32, i32
  }
  func.func @transform_1(%arg0: i32, %arg1: i32) -> (i32, i32, i32) {
    %min3A = arith.constant 7 : i32
    %min3A_0 = arith.minsi %arg0, %min3A : i32
    %c0_i32 = arith.constant 0 : i32
    %c0_i32_1 = arith.constant 0 : i32
    return %min3A_0, %arg1, %c0_i32 : i32, i32, i32
  }
  func.func @transform_2(%arg0: i32, %arg1: i32) -> (i32, i32, i32) {
    %min3A = arith.constant 7 : i32
    %min3A_0 = arith.minsi %arg0, %min3A : i32
    %c0_i32 = arith.constant 0 : i32
    %c0_i32_1 = arith.constant 0 : i32
    return %min3A_0, %arg1, %c0_i32 : i32, i32, i32
  }
  func.func @transform_3(%arg0: i32, %arg1: i32) -> (i32, i32, i32) {
    %min3A = arith.constant 7 : i32
    %min3A_0 = arith.minsi %arg0, %min3A : i32
    %c0_i32 = arith.constant 0 : i32
    %c0_i32_1 = arith.constant 0 : i32
    return %min3A_0, %c0_i32, %arg1 : i32, i32, i32
  }
  func.func @transform_4(%arg0: i32, %arg1: i32) -> (i32, i32) {
    %c0_i32 = arith.constant 0 : i32
    %c0_i32_0 = arith.constant 0 : i32
    %c0_i32_1 = arith.constant 0 : i32
    return %c0_i32, %c0_i32_0 : i32, i32
  }
  func.func @transform_5(%arg0: i32, %arg1: i32) -> (i32, i32) {
    %c0_i32 = arith.constant 0 : i32
    %c0_i32_0 = arith.constant 0 : i32
    %c0_i32_1 = arith.constant 0 : i32
    return %c0_i32, %c0_i32_0 : i32, i32
  }
  func.func @transform_6(%arg0: i32, %arg1: i32) -> (i32, i32) {
    %c0_i32 = arith.constant 0 : i32
    %c0_i32_0 = arith.constant 0 : i32
    %c0_i32_1 = arith.constant 0 : i32
    return %c0_i32, %c0_i32_0 : i32, i32
  }
  func.func @transform_7(%arg0: i32, %arg1: i32) -> (i32, i32) {
    %c0_i32 = arith.constant 0 : i32
    %c0_i32_0 = arith.constant 0 : i32
    %c0_i32_1 = arith.constant 0 : i32
    return %c0_i32, %c0_i32_0 : i32, i32
  }
  func.func @transform_8(%arg0: i32, %arg1: i32) -> (i32, i32) {
    %c0_i32 = arith.constant 0 : i32
    %c0_i32_0 = arith.constant 0 : i32
    return %arg0, %c0_i32 : i32, i32
  }
}

</mosaic_0001>

<sc_bundles>
// kernel: kernel.6.cloned.1.call-start
scs
__scs_entry_jumppad:
0x0: {  	(pc) =	sbr.rel $0x88, $3  }
0x1: {  	(tag) =	ssettag $0x0;
	lr =	simm.s32 $0x1  }
0x2: {  	[smem:$0x3F9C] =	sst lr;
	_ =	strace $0xD0000000  }
0x3: {  	_ = 	snop  }
0x4: {  	_ = 	snop  }
0x5: {  	_ = 	snop  }
0x6: {  	_ = 	snop  }
0x7: {  	_ = 	snop  }
__scs_overlays_trampoline_lowered:
0x8: {  	[smem:$0x3FAB] =	sst s0  }
0x9: {  	[smem:$0x3FAC] =	sst s1  }
0xa: {  	[smem:$0x3FAD] =	sst s2  }
0xb: {  	[smem:$0x3FAE] =	sst s3  }
0xc: {  	[smem:$0x3FAF] =	sst s4  }
0xd: {  	[smem:$0x3FB0] =	sst s5  }
0xe: {  	[smem:$0x3FB1] =	sst s6  }
0xf: {  	[smem:$0x3FB2] =	sst s7  }
0x10: {  	[smem:$0x3FB3] =	sst s8  }
0x11: {  	[smem:$0x3FB4] =	sst s9;
	s0 =	simm.s32 @!p0 $0x0  }
0x12: {  	s1 =	sld [smem:$0x3F9A];
	s0 =	simm.s32 @p0 $0x1  }
0x13: {  	[smem:$0x3FB5] =	sst s0;
	s0 =	simm.s32 @!p1 $0x0  }
0x14: {  	s2 =	sld [smem:$0x3F99];
	s0 =	simm.s32 @p1 $0x1  }
0x15: {  	[smem:$0x3FB6] =	sst s0;
	s0 =	simm.s32 @!p2 $0x0  }
0x16: {  	s3 =	sld [smem:$0x3FDB];
	s0 =	simm.s32 @p2 $0x1  }
0x17: {  	s4 =	simm.s32 $0x1BF5;
	[smem:$0x3FB8] =	sst s0  }
0x18: {  	s0 =	sld [smem:$0x3F9B];
	_ =	swait.ge [sflag:s4], $0x0  }
0x19: {  	s7 =	sld [smem:$0x3F9C]  }
0x1a: {  	s8 =	sadd.s32 $0xFFFFE003, lr  }
0x1b: {  	s9 =	sadd.s32 $0xFFFFFEF7, lr;
	s5 =	simm.s32 $0xFFFFFFFF;
	p2 =	slt.u32 s8, $0xFFFFF086  }
0x1c: {  	p1 =	slt.u32 s9, $0xF7A;
	s5 =	simm.s32 @!p2 $0x0  }
0x1d: {  	s5 =	simm.s32 @p1 $0x1;
	p0 =	seq.s32 s7, s2  }
0x1e: {  	s7 =	smul.u32 @!p0 $0xF7A, s2;
	p2 =	seq.s32 @!p0 s5, $0x0  }
0x1f: {  	s9 =	smul.u32 $0xF7A, s1;
	s8 =	simm.s32 @!p0 $0x1BF5;
	p2 =	por !p2, p0  }
0x20: {  	[sflag:s8] =	ssyncset.s32 @!p0 $0xFFFFF086;
	s6 =	sadd.s32 @!p0 s3, s7;
	s7 =	simm.s32 @!p0 $0x108  }
0x21: {  	s3 =	sadd.s32 s3, s9;
	s6 =	sadd.s32 @!p0 $0x88, s6;
	s7 =	simm.s32 @p2 $0x1082  }
0x22: {  	[simem:s7], [sflag:s8] =	dma.local @!p0 [hbm:s6], $0xF7A  }
0x23: {  	s9 =	sor.u32 $0xD0000000, s2;
	s6 =	simm.s32 $0x108;
	_ =	swait.ge @!p0 [sflag:s8], $0x0  }
0x24: {  	s3 =	sadd.s32 $0x88, s3;
	s6 =	simm.s32 @!p1 $0x1082;
	[sflag:s4] =	ssyncset.s32 $0xFFFFF086  }
0x25: {  	[simem:s6], [sflag:s4] =	dma.local [hbm:s3], $0xF7A  }
0x26: {  	[smem:$0x3F9C] =	sst s1;
	(tag) =	ssettag s2;
	_ =	strace s9  }
0x27: {  	s1 =	sld [smem:$0x3FAC]  }
0x28: {  	s2 =	sld [smem:$0x3FAD]  }
0x29: {  	s4 =	sld [smem:$0x3FAF]  }
0x2a: {  	p0 =	seq.s32 s5, $0x0;
	s5 =	sld [smem:$0x3FB0]  }
0x2b: {  	s6 =	sld [smem:$0x3FB1]  }
0x2c: {  	s7 =	sld [smem:$0x3FB2]  }
0x2d: {  	s3 =	simm.s32 $0x108;
	s8 =	sld [smem:$0x3FB3]  }
0x2e: {  	s3 =	simm.s32 @!p0 $0x1082;
	s9 =	sld [smem:$0x3FB4]  }
0x2f: {  	lr =	sadd.s32 s0, s3;
	s0 =	sld [smem:$0x3FAB]  }
0x30: {  	s3 =	sld [smem:$0x3FAE]  }
0x31: {  	[smem:$0x3FB7] =	sst s10  }
0x32: {  	s10 =	sld [smem:$0x3FB5];
	_ =	sdelay $0x3  }
0x33: {  	p0 =	seq.s32 s10, $0x1;
	s10 =	sld [smem:$0x3FB7];
	_ =	sdelay $0x3  }
0x34: {  	[smem:$0x3FB7] =	sst s10  }
0x35: {  	s10 =	sld [smem:$0x3FB6];
	_ =	sdelay $0x3  }
0x36: {  	p1 =	seq.s32 s10, $0x1;
	s10 =	sld [smem:$0x3FB7];
	_ =	sdelay $0x3  }
0x37: {  	[smem:$0x3FB7] =	sst s10  }
0x38: {  	s10 =	sld [smem:$0x3FB8]  }
0x39: {  	_ = 	snop;
	(pc) =	sbr.ind lr, $3  }
0x3a: {  	_ = 	snop  }
0x3b: {  	_ = 	snop  }
0x3c: {  	p2 =	seq.s32 s10, $0x1;
	s10 =	sld [smem:$0x3FB7]  }
0x3d: {  	_ =	shalt  }
0x3e: {  	_ =	shalt  }
0x3f: {  	_ =	shalt  }
0x40: {  	_ =	shalt  }
0x41: {  	_ =	shalt  }
0x42: {  	_ =	shalt  }
0x43: {  	_ =	shalt  }
0x44: {  	_ =	shalt  }
0x45: {  	_ =	shalt  }
0x46: {  	_ =	shalt  }
0x47: {  	_ =	shalt  }
0x48: {  	_ =	shalt  }
0x49: {  	_ =	shalt  }
0x4a: {  	_ =	shalt  }
0x4b: {  	_ =	shalt  }
0x4c: {  	_ =	shalt  }
0x4d: {  	_ =	shalt  }
0x4e: {  	_ =	shalt  }
0x4f: {  	_ =	shalt  }
0x50: {  	_ =	shalt  }
0x51: {  	_ =	shalt  }
0x52: {  	_ =	shalt  }
0x53: {  	_ =	shalt  }
0x54: {  	_ =	shalt  }
0x55: {  	_ =	shalt  }
0x56: {  	_ =	shalt  }
0x57: {  	_ =	shalt  }
0x58: {  	_ =	shalt  }
0x59: {  	_ =	shalt  }
0x5a: {  	_ =	shalt  }
0x5b: {  	_ =	shalt  }
0x5c: {  	_ =	shalt  }
0x5d: {  	_ =	shalt  }
0x5e: {  	_ =	shalt  }
0x5f: {  	_ =	shalt  }
0x60: {  	_ =	shalt  }
0x61: {  	_ =	shalt  }
0x62: {  	_ =	shalt  }
0x63: {  	_ =	shalt  }
0x64: {  	_ =	shalt  }
0x65: {  	_ =	shalt  }
0x66: {  	_ =	shalt  }
0x67: {  	_ =	shalt  }
0x68: {  	_ =	shalt  }
0x69: {  	_ =	shalt  }
0x6a: {  	_ =	shalt  }
0x6b: {  	_ =	shalt  }
0x6c: {  	_ =	shalt  }
0x6d: {  	_ =	shalt  }
0x6e: {  	_ =	shalt  }
0x6f: {  	_ =	shalt  }
0x70: {  	_ =	shalt  }
0x71: {  	_ =	shalt  }
0x72: {  	_ =	shalt  }
0x73: {  	_ =	shalt  }
0x74: {  	_ =	shalt  }
0x75: {  	_ =	shalt  }
0x76: {  	_ =	shalt  }
0x77: {  	_ =	shalt  }
0x78: {  	_ =	shalt  }
0x79: {  	_ =	shalt  }
0x7a: {  	_ =	shalt  }
0x7b: {  	_ =	shalt  }
0x7c: {  	_ =	shalt  }
0x7d: {  	_ =	shalt  }
0x7e: {  	_ =	shalt  }
0x7f: {  	_ =	shalt  }
0x80: {  	_ =	shalt  }
0x81: {  	_ =	shalt  }
0x82: {  	_ =	shalt  }
0x83: {  	_ =	shalt  }
0x84: {  	_ =	shalt  }
0x85: {  	_ =	shalt  }
0x86: {  	_ =	shalt  }
0x87: {  	_ =	shalt  }
.Lfunc_end0:
.L_simem_size_0:
called_computation_lowered:
.L_overlay_start_0:
0x88: {  	s2 =	sld [smem:$0x3FD9]  }
0x89: {  	s3 =	sld [smem:$0x3FFE];
	_ =	sdelay $0x1  }
0x8a: {  	s1 =	srdreg.scid  }
0x8b: {  	s0 =	sand.u32 $0x1, s1  }
0x8c: {  	s14 =	sshll.u32 s0, $0xA;
	s2 =	sadd.s32 s3, s2  }
0x8d: {  	s2 =	sadd.s32 s2, s14  }
0x8e: {  	[smem:$0x3FC3] =	sst s2  }
0x8f: {  	_ = 	snop  }
0x90: {  	s2 =	sld [smem:$0x3FD0];
	_ =	sdelay $0x2  }
0x91: {  	s15 =	simm.s32 $0xA;
	s4 =	simm.s32 $0x10  }
0x92: {  	[smem:s4], [sflag:s15] =	dma.local [hbm:s2], $0x1  }
0x93: {  	_ =	swait.eq [sflag:s15], $0x1  }
0x94: {  	[sflag:s15] =	ssyncset.done $0x0  }
0x95: {  	[sflag:s15] =	ssyncadd.s32 $0xFFFFFFFF  }
0x96: {  	s16 =	sld [smem:$0x10];
	(tm) =	ssettm $0x1  }
0x97: {  	s17 =	sld [smem:$0x3FFB];
	_ =	sdelay $0x3  }
0x98: {  	_ =	strace s17  }
0x99: {  	s3 =	sld [smem:$0x3FFC];
	_ =	sdelay $0x3  }
0x9a: {  	_ =	strace s3  }
0x9b: {  	s3 =	sld [smem:$0x3FFD];
	_ =	sdelay $0x3  }
0x9c: {  	_ =	strace s3  }
0x9d: {  	_ =	strace $0x8FFFFFFF  }
0x9e: {  	s18 =	sld [smem:$0x3FDB];
	_ =	sdelay $0x1  }
0x9f: {  	s19 =	simm.s32 $_scs_section_size  }
0xa0: {  	s5 =	simm.s32 $_size__tile_overlayer_lowered;
	s6 =	simm.s32 $_tile_overlayer_lowered  }
0xa1: {  	s22 =	simm.s32 $0x1BFF;
	s21 =	sshll.u32 s6, $0x1;
	s3 =	sadd.s32 s19, s18  }
0xa2: {  	s7 =	simm.s32 $0x0;
	s20 =	sshll.u32 s5, $0x1;
	s5 =	sadd.s32 s21, s3  }
0xa3: {  	[timem:s7], [sflag:s22] =	dma.local [hbm:s5], s20  }
0xa4: {  	_ =	swait.ge [sflag:s22], s20  }
0xa5: {  	s4 =	ssub.s32 $0x0, s20;
	[sflag:s22] =	ssyncset.done $0x0  }
0xa6: {  	[sflag:s22] =	ssyncadd.s32 s4;
	_ =	sdelay $0x1  }
0xa7: {  	s23 =	simm.s32 $0x1B8B  }
0xa8: {  	_ =	swait.ge [sflag:s23], $0x1  }
0xa9: {  	[sflag:s23] =	ssyncset.done $0x0  }
0xaa: {  	s25 =	simm.s32 $0x1B8E;
	s24 =	sld [smem:$0x3FFE];
	[sflag:s23] =	ssyncadd.s32 $0xFFFFFFFF  }
0xab: {  	s26 =	simm.s32 $execute0_lowered;
	[smem:$0x3FD2] =	sst s25  }
0xac: {  	s5 =	sshll.u32 s26, $0x1;
	_ =	strace $0x80000046;
	[dreg:$0x1] =	wrdreg $0xFFFFFFFF  }
0xad: {  	s28 =	simm.s32 $_size_execute0_lowered;
	s3 =	sadd.s32 s3, s5;
	[dreg:$0x0] =	wrdreg $0x0  }
0xae: {  	s5 =	sshll.u32 s28, $0x1;
	[dreg:$0x2] =	wrdreg s3  }
0xaf: {  	[dreg:$0x3] =	wrdreg s5  }
0xb0: {  	[dreg:$0x4] =	wrdreg $0xC0  }
0xb1: {  	_ =	task [dreg:s7], $0x5FFFF  }
0xb2: {  	[dreg:$0x1] =	wrdreg $0xFFFFFFFF  }
0xb3: {  	[dreg:$0x0] =	wrdreg $0x60  }
0xb4: {  	[dreg:$0x2] =	wrdreg s24  }
0xb5: {  	[dreg:$0x3] =	wrdreg s16  }
0xb6: {  	[dreg:$0x4] =	wrdreg $0x9  }
0xb7: {  	_ =	task.clear_ibuf [dreg:s7], $0x5FFFF;
	_ =	strace $0x90000046  }
0xb8: {  	s29 =	simm.s32 $0x9;
	_ =	strace $0x80000048  }
0xb9: {  	_ =	swait.ge [sflag:s29], $0x1  }
0xba: {  	[sflag:s29] =	ssyncadd.s32 $0xFFFFFFFF  }
0xbb: {  	_ =	strace $0x90000048  }
0xbc: {  	_ =	sfence  }
0xbd: {  	s30 =	sld [smem:$0x0];
	_ =	sdelay $0x2  }
0xbe: {  	s31 =	sshll.u32 s1, $0xD;
	s1 =	sshrl.u32 s1, $0x2  }
0xbf: {  	s3 =	sand.u32 $0x4000, s31;
	s1 =	sadd.s32 s1, s30  }
0xc0: {  	s0 =	sor.u32 s3, s0;
	s1 =	sshll.u32 s1, $0x11  }
0xc1: {  	s0 =	sor.u32 s1, s0  }
0xc2: {  	s0 =	sadd.s32 $0x8F2B, s0  }
0xc3: {  	[sflag:s0] =	ssyncadd.remote.s32 $0x1  }
0xc4: {  	_ =	sfence.sel $0xFFFF  }
0xc5: {  	[dreg:$0x0] =	wrdreg $0xFFFFFFFF;
	(pc) =	sbr.abs _section_cstart, $3  }
0xc6: {  	[dreg:$0x1] =	wrdreg $0xFFFFFFFF  }
0xc7: {  	_ =	task.clear_ibuf [dreg:s7], $0x2FFFF;
	_ =	strace $0x9FFFFFFF  }
0xc8: {  	(tm) =	ssettm $0x7FFFFFFF  }
0xc9: {  	_ =	shalt  }
tec
execute0_lowered:
.L_overlay_start_1:
0x0: {  	(tag) =	ssettag $0x1  }
0x1: {  	s0 =	rddreg [dreg:$0x0]  }
0x2: {  	s2 =	rddreg [dreg:$0x1];
	s1 =	simm.s32 $0x0  }
0x3: {  	s3 =	srdreg.scid;
	s9 =	stileid.u32;
	s12 =	simm.s32 $0x80  }
0x4: {  	s13 =	simm.s32 $0x100;
	s14 =	simm.s32 $0x980;
	s15 =	simm.s32 $0x1180  }
0x5: {  	s16 =	simm.s32 $0x1980;
	s17 =	simm.s32 $0x2180;
	s18 =	simm.s32 $0x2980  }
0x6: {  	s28 =	simm.s32 $0x7180;
	s29 =	simm.s32 $0x7980;
	s31 =	simm.s32 $0x8980  }
0x7: {  	[smem:$0x7FF] =	sst s1;
	s4 =	sand.u32 $0x1, s3;
	s3 =	sadd.s32 $0x400, s0  }
0x8: {  	s7 =	sshll.u32 s9, $0x4;
	s8 =	sadd.s32 $0x200, s0;
	s19 =	sshll.u32 s9, $0x5  }
0x9: {  	v4 =	vlaneseq.u32;
	s9 =	simm.s32 $0x1;
	_ =	strace $0x80000047;
	s5 =	ssub.s32 $0x2, s4  }
0xa: {  	s4 =	sshll.u32 s4, $0x3;
	s30 =	sor.u32 $0x10, s19;
	v0 =	vor.u32 s19, v4;
	s19 =	simm.s32 $0x3180  }
0xb: {  	s6 =	sshrl.u32 s5, $0x1;
	s4 =	sor.u32 s4, s7;
	v1 =	vor.u32 s30, v4;
	s30 =	simm.s32 $0x8180  }
0xc: {  	s7 =	simm.s32 $0xA180;
	s6 =	ssub.s32 s5, s6;
	s20 =	sadd.s32 s0, s4  }
0xd: {  	s21 =	smul.u32 $0x300, s4;
	s22 =	sadd.s32 s8, s4;
	s24 =	sor.u32 $0x4, s4  }
0xe: {  	s4 =	sadd.s32 $0x500, s0;
	s5 =	sadd.s32 $0x600, s0;
	[dreg:$0x3] =	wrdreg s20  }
0xf: {  	[dreg:$0x4] =	wrdreg s22;
	s25 =	sadd.s32 s0, s24;
	s10 =	smul.u32 $0x300, s24  }
0x10: {  	s8 =	sadd.s32 s8, s24;
	s6 =	smax.u32 s6, $0x1;
	s0 =	simm.s32 $0x180  }
0x11: {  	s20 =	simm.s32 $0x3980;
	s22 =	simm.s32 $0x4980;
	[dreg:$0x6] =	wrdreg s25  }
0x12: {  	s24 =	simm.s32 $0x5980;
	s23 =	sadd.s32 s2, s21;
	[dreg:$0x7] =	wrdreg s8  }
0x13: {  	s8 =	simm.s32 $0x2;
	s21 =	simm.s32 $0x4180;
	s25 =	simm.s32 $0x6180  }
0x14: {  	vm0 =	vmmov $0xffff;
	v3 =	vshrl.u32 v4, $0x3;
	[dreg:$0x5] =	wrdreg s23;
	s26 =	sadd.s32 s2, s10;
	s23 =	simm.s32 $0x5180  }
0x15: {  	v2 =	vand.u32 $0x7, v4;
	v3 =	vmul.u32 $0x8, v3;
	v4 =	vor.u32 $0x8, v4;
	s10 =	simm.s32 $0xA980;
	[dreg:$0x8] =	wrdreg s26;
	s26 =	simm.s32 $0x6980  }
.LBB2_1:
0x16: {  	[tilespmem:$0x0] =	vst v0  }
0x17: {  	s11 =	rddreg [dreg:$0x3];
	[tilespmem:$0x10] =	vst v1  }
0x18: {  	[tilespmem:s12], [sflag:$0x2] =	stream.linear.gather [hbm4b:s11+s1], $0x20, $0x38;
	[tilespmem:$0xC180] =	vst v63  }
0x19: {  	_ =	swait.ge [sflag:s8], $0x20  }
0x1a: {  	[sflag:s8] =	ssyncset.done $0x0  }
0x1b: {  	s2 =	rddreg [dreg:$0x4];
	[sflag:s8] =	ssyncadd.s32 $0xFFFFFFE0  }
0x1c: {  	[tilespmem:s13], [sflag:$0x2] =	stream.linear.gather [hbm4b:s2+s1], $0x20, $0x38;
	[tilespmem:$0xC180] =	vst v63  }
0x1d: {  	_ =	swait.ge [sflag:s8], $0x20  }
0x1e: {  	[sflag:s8] =	ssyncset.done $0x0  }
0x1f: {  	[sflag:s8] =	ssyncadd.s32 $0xFFFFFFE0  }
0x20: {  	v5 =	vld [tilespmem:$0x80];
	_ =	sdelay $0x4  }
0x21: {  	v6 =	vshrl.u32 v5, $0x3  }
0x22: {  	v6 =	vmul.u32 $0x30, v6  }
0x23: {  	v5 =	vand.u32 $0x7, v5  }
0x24: {  	v5 =	vor.u32 v5, v6  }
0x25: {  	v6 =	vperm.xlane v5, v2;
	_ =	sdelay $0x1  }
0x26: {  	v6 =	vadd.s32 v3, v6;
	_ =	sdelay $0x3  }
0x27: {  	v5 =	vperm.xlane v5, v4  }
0x28: {  	[tilespmem:s0], [sflag:$0x1] =	stream.indirect_vreg.gather [hbm4b:s3+s1], $0x80, v6, vm0, $0xb8;
	[tilespmem:$0xC180] =	vst v63  }
0x29: {  	v5 =	vadd.s32 v3, v5  }
0x2a: {  	[tilespmem:s14], [sflag:$0x1] =	stream.indirect_vreg.gather [hbm4b:s4+s1], $0x80, v6, vm0, $0xb8;
	[tilespmem:$0xC180] =	vst v63  }
0x2b: {  	_ = 	snop  }
0x2c: {  	[tilespmem:s15], [sflag:$0x1] =	stream.indirect_vreg.gather [hbm4b:s5+s1], $0x80, v6, vm0, $0xb8;
	[tilespmem:$0xC180] =	vst v63  }
0x2d: {  	_ = 	snop  }
0x2e: {  	[tilespmem:s16], [sflag:$0x1] =	stream.indirect_vreg.gather [hbm4b:s3+s1], $0x80, v5, vm0, $0xb8;
	[tilespmem:$0xC180] =	vst v63  }
0x2f: {  	_ = 	snop  }
0x30: {  	[tilespmem:s17], [sflag:$0x1] =	stream.indirect_vreg.gather [hbm4b:s4+s1], $0x80, v5, vm0, $0xb8;
	[tilespmem:$0xC180] =	vst v63  }
0x31: {  	_ = 	snop  }
0x32: {  	[tilespmem:s18], [sflag:$0x1] =	stream.indirect_vreg.gather [hbm4b:s5+s1], $0x80, v5, vm0, $0xb8;
	[tilespmem:$0xC180] =	vst v63  }
0x33: {  	v5 =	vld [tilespmem:$0x90];
	_ =	sdelay $0x4  }
0x34: {  	v6 =	vshrl.u32 v5, $0x3  }
0x35: {  	v6 =	vmul.u32 $0x30, v6  }
0x36: {  	v5 =	vand.u32 $0x7, v5  }
0x37: {  	v5 =	vor.u32 v5, v6  }
0x38: {  	v6 =	vperm.xlane v5, v2;
	_ =	sdelay $0x1  }
0x39: {  	v6 =	vadd.s32 v3, v6;
	_ =	sdelay $0x3  }
0x3a: {  	v5 =	vperm.xlane v5, v4  }
0x3b: {  	[tilespmem:s19], [sflag:$0x1] =	stream.indirect_vreg.gather [hbm4b:s3+s1], $0x80, v6, vm0, $0xb8;
	[tilespmem:$0xC180] =	vst v63  }
0x3c: {  	v5 =	vadd.s32 v3, v5  }
0x3d: {  	[tilespmem:s20], [sflag:$0x1] =	stream.indirect_vreg.gather [hbm4b:s4+s1], $0x80, v6, vm0, $0xb8;
	[tilespmem:$0xC180] =	vst v63  }
0x3e: {  	_ = 	snop  }
0x3f: {  	[tilespmem:s21], [sflag:$0x1] =	stream.indirect_vreg.gather [hbm4b:s5+s1], $0x80, v6, vm0, $0xb8;
	[tilespmem:$0xC180] =	vst v63  }
0x40: {  	_ = 	snop  }
0x41: {  	[tilespmem:s22], [sflag:$0x1] =	stream.indirect_vreg.gather [hbm4b:s3+s1], $0x80, v5, vm0, $0xb8;
	[tilespmem:$0xC180] =	vst v63  }
0x42: {  	_ = 	snop  }
0x43: {  	[tilespmem:s23], [sflag:$0x1] =	stream.indirect_vreg.gather [hbm4b:s4+s1], $0x80, v5, vm0, $0xb8;
	[tilespmem:$0xC180] =	vst v63  }
0x44: {  	_ = 	snop  }
0x45: {  	[tilespmem:s24], [sflag:$0x1] =	stream.indirect_vreg.gather [hbm4b:s5+s1], $0x80, v5, vm0, $0xb8;
	[tilespmem:$0xC180] =	vst v63  }
0x46: {  	v5 =	vld [tilespmem:$0x100];
	_ =	sdelay $0x4  }
0x47: {  	v6 =	vshrl.u32 v5, $0x3  }
0x48: {  	v6 =	vmul.u32 $0x30, v6  }
0x49: {  	v5 =	vand.u32 $0x7, v5  }
0x4a: {  	v5 =	vor.u32 v5, v6  }
0x4b: {  	v6 =	vperm.xlane v5, v2;
	_ =	sdelay $0x1  }
0x4c: {  	v6 =	vadd.s32 v3, v6;
	_ =	sdelay $0x3  }
0x4d: {  	v5 =	vperm.xlane v5, v4  }
0x4e: {  	[tilespmem:s25], [sflag:$0x1] =	stream.indirect_vreg.gather [hbm4b:s3+s1], $0x80, v6, vm0, $0xb8;
	[tilespmem:$0xC180] =	vst v63  }
0x4f: {  	v5 =	vadd.s32 v3, v5  }
0x50: {  	[tilespmem:s26], [sflag:$0x1] =	stream.indirect_vreg.gather [hbm4b:s4+s1], $0x80, v6, vm0, $0xb8;
	[tilespmem:$0xC180] =	vst v63  }
0x51: {  	_ = 	snop  }
0x52: {  	[tilespmem:s28], [sflag:$0x1] =	stream.indirect_vreg.gather [hbm4b:s5+s1], $0x80, v6, vm0, $0xb8;
	[tilespmem:$0xC180] =	vst v63  }
0x53: {  	_ = 	snop  }
0x54: {  	[tilespmem:s29], [sflag:$0x1] =	stream.indirect_vreg.gather [hbm4b:s3+s1], $0x80, v5, vm0, $0xb8;
	[tilespmem:$0xC180] =	vst v63  }
0x55: {  	_ = 	snop  }
0x56: {  	[tilespmem:s30], [sflag:$0x1] =	stream.indirect_vreg.gather [hbm4b:s4+s1], $0x80, v5, vm0, $0xb8;
	[tilespmem:$0xC180] =	vst v63  }
0x57: {  	_ = 	snop  }
0x58: {  	[tilespmem:s31], [sflag:$0x1] =	stream.indirect_vreg.gather [hbm4b:s5+s1], $0x80, v5, vm0, $0xb8;
	[tilespmem:$0xC180] =	vst v63  }
0x59: {  	v5 =	vld [tilespmem:$0x110];
	_ =	sdelay $0x4  }
0x5a: {  	v6 =	vshrl.u32 v5, $0x3  }
0x5b: {  	v6 =	vmul.u32 $0x30, v6  }
0x5c: {  	v5 =	vand.u32 $0x7, v5  }
0x5d: {  	v5 =	vor.u32 v5, v6  }
0x5e: {  	v6 =	vperm.xlane v5, v2;
	_ =	sdelay $0x1  }
0x5f: {  	v6 =	vadd.s32 v3, v6;
	_ =	sdelay $0x3  }
0x60: {  	s2 =	simm.s32 $0x9180;
	v5 =	vperm.xlane v5, v4  }
0x61: {  	[tilespmem:s2], [sflag:$0x1] =	stream.indirect_vreg.gather [hbm4b:s3+s1], $0x80, v6, vm0, $0xb8;
	[tilespmem:$0xC180] =	vst v63  }
0x62: {  	v5 =	vadd.s32 v3, v5;
	s2 =	simm.s32 $0x9980  }
0x63: {  	[tilespmem:s2], [sflag:$0x1] =	stream.indirect_vreg.gather [hbm4b:s4+s1], $0x80, v6, vm0, $0xb8;
	[tilespmem:$0xC180] =	vst v63  }
0x64: {  	_ = 	snop  }
0x65: {  	[tilespmem:s7], [sflag:$0x1] =	stream.indirect_vreg.gather [hbm4b:s5+s1], $0x80, v6, vm0, $0xb8;
	[tilespmem:$0xC180] =	vst v63  }
0x66: {  	_ = 	snop  }
0x67: {  	[tilespmem:s10], [sflag:$0x1] =	stream.indirect_vreg.gather [hbm4b:s3+s1], $0x80, v5, vm0, $0xb8;
	[tilespmem:$0xC180] =	vst v63  }
0x68: {  	s11 =	simm.s32 $0xB180  }
0x69: {  	[tilespmem:s11], [sflag:$0x1] =	stream.indirect_vreg.gather [hbm4b:s4+s1], $0x80, v5, vm0, $0xb8;
	[tilespmem:$0xC180] =	vst v63  }
0x6a: {  	s11 =	simm.s32 $0xB980  }
0x6b: {  	[tilespmem:s11], [sflag:$0x1] =	stream.indirect_vreg.gather [hbm4b:s5+s1], $0x80, v5, vm0, $0xb8;
	[tilespmem:$0xC180] =	vst v63  }
0x6c: {  	_ =	swait.ge [sflag:s9], $0x6000  }
0x6d: {  	[sflag:s9] =	ssyncset.done $0x0  }
0x6e: {  	[sflag:s9] =	ssyncadd.s32 $0xFFFFA000  }
0x6f: {  	_ =	swait.ge [sflag:s9], $0x6000  }
0x70: {  	[sflag:s9] =	ssyncset.done $0x0  }
0x71: {  	s11 =	rddreg [dreg:$0x5];
	[sflag:s9] =	ssyncadd.s32 $0xFFFFA000  }
0x72: {  	[hbm4b:s11+s1] =	stream.linear.scatter [tilespmem:s0], [sflag:$0x2], $0x6000, $0x38;
	[tilespmem:$0xC180] =	vst v63  }
0x73: {  	_ =	swait.ge [sflag:s8], $0x6000  }
0x74: {  	[sflag:s8] =	ssyncset.done $0x0  }
0x75: {  	s11 =	rddreg [dreg:$0x6];
	[sflag:s8] =	ssyncadd.s32 $0xFFFFA000  }
0x76: {  	[tilespmem:s12], [sflag:$0x2] =	stream.linear.gather [hbm4b:s11+s1], $0x20, $0x38;
	[tilespmem:$0xC180] =	vst v63  }
0x77: {  	_ =	swait.ge [sflag:s8], $0x20  }
0x78: {  	[sflag:s8] =	ssyncset.done $0x0  }
0x79: {  	s11 =	rddreg [dreg:$0x7];
	[sflag:s8] =	ssyncadd.s32 $0xFFFFFFE0  }
0x7a: {  	[tilespmem:s13], [sflag:$0x2] =	stream.linear.gather [hbm4b:s11+s1], $0x20, $0x38;
	[tilespmem:$0xC180] =	vst v63  }
0x7b: {  	_ =	swait.ge [sflag:s8], $0x20  }
0x7c: {  	[sflag:s8] =	ssyncset.done $0x0  }
0x7d: {  	[sflag:s8] =	ssyncadd.s32 $0xFFFFFFE0  }
0x7e: {  	v5 =	vld [tilespmem:$0x80];
	_ =	sdelay $0x4  }
0x7f: {  	v6 =	vshrl.u32 v5, $0x3  }
0x80: {  	v6 =	vmul.u32 $0x30, v6  }
0x81: {  	v5 =	vand.u32 $0x7, v5  }
0x82: {  	v5 =	vor.u32 v5, v6  }
0x83: {  	v6 =	vperm.xlane v5, v2;
	_ =	sdelay $0x1  }
0x84: {  	v6 =	vadd.s32 v3, v6;
	_ =	sdelay $0x3  }
0x85: {  	v5 =	vperm.xlane v5, v4  }
0x86: {  	[tilespmem:s0], [sflag:$0x1] =	stream.indirect_vreg.gather [hbm4b:s3+s1], $0x80, v6, vm0, $0xb8;
	[tilespmem:$0xC180] =	vst v63  }
0x87: {  	v5 =	vadd.s32 v3, v5  }
0x88: {  	[tilespmem:s14], [sflag:$0x1] =	stream.indirect_vreg.gather [hbm4b:s4+s1], $0x80, v6, vm0, $0xb8;
	[tilespmem:$0xC180] =	vst v63  }
0x89: {  	_ = 	snop  }
0x8a: {  	[tilespmem:s15], [sflag:$0x1] =	stream.indirect_vreg.gather [hbm4b:s5+s1], $0x80, v6, vm0, $0xb8;
	[tilespmem:$0xC180] =	vst v63  }
0x8b: {  	_ = 	snop  }
0x8c: {  	[tilespmem:s16], [sflag:$0x1] =	stream.indirect_vreg.gather [hbm4b:s3+s1], $0x80, v5, vm0, $0xb8;
	[tilespmem:$0xC180] =	vst v63  }
0x8d: {  	_ = 	snop  }
0x8e: {  	[tilespmem:s17], [sflag:$0x1] =	stream.indirect_vreg.gather [hbm4b:s4+s1], $0x80, v5, vm0, $0xb8;
	[tilespmem:$0xC180] =	vst v63  }
0x8f: {  	_ = 	snop  }
0x90: {  	[tilespmem:s18], [sflag:$0x1] =	stream.indirect_vreg.gather [hbm4b:s5+s1], $0x80, v5, vm0, $0xb8;
	[tilespmem:$0xC180] =	vst v63  }
0x91: {  	v5 =	vld [tilespmem:$0x90];
	_ =	sdelay $0x4  }
0x92: {  	v6 =	vshrl.u32 v5, $0x3  }
0x93: {  	v6 =	vmul.u32 $0x30, v6  }
0x94: {  	v5 =	vand.u32 $0x7, v5  }
0x95: {  	v5 =	vor.u32 v5, v6  }
0x96: {  	v6 =	vperm.xlane v5, v2;
	_ =	sdelay $0x1  }
0x97: {  	v6 =	vadd.s32 v3, v6;
	_ =	sdelay $0x3  }
0x98: {  	v5 =	vperm.xlane v5, v4  }
0x99: {  	[tilespmem:s19], [sflag:$0x1] =	stream.indirect_vreg.gather [hbm4b:s3+s1], $0x80, v6, vm0, $0xb8;
	[tilespmem:$0xC180] =	vst v63  }
0x9a: {  	v5 =	vadd.s32 v3, v5  }
0x9b: {  	[tilespmem:s20], [sflag:$0x1] =	stream.indirect_vreg.gather [hbm4b:s4+s1], $0x80, v6, vm0, $0xb8;
	[tilespmem:$0xC180] =	vst v63  }
0x9c: {  	_ = 	snop  }
0x9d: {  	[tilespmem:s21], [sflag:$0x1] =	stream.indirect_vreg.gather [hbm4b:s5+s1], $0x80, v6, vm0, $0xb8;
	[tilespmem:$0xC180] =	vst v63  }
0x9e: {  	_ = 	snop  }
0x9f: {  	[tilespmem:s22], [sflag:$0x1] =	stream.indirect_vreg.gather [hbm4b:s3+s1], $0x80, v5, vm0, $0xb8;
	[tilespmem:$0xC180] =	vst v63  }
0xa0: {  	_ = 	snop  }
0xa1: {  	[tilespmem:s23], [sflag:$0x1] =	stream.indirect_vreg.gather [hbm4b:s4+s1], $0x80, v5, vm0, $0xb8;
	[tilespmem:$0xC180] =	vst v63  }
0xa2: {  	_ = 	snop  }
0xa3: {  	[tilespmem:s24], [sflag:$0x1] =	stream.indirect_vreg.gather [hbm4b:s5+s1], $0x80, v5, vm0, $0xb8;
	[tilespmem:$0xC180] =	vst v63  }
0xa4: {  	v5 =	vld [tilespmem:$0x100];
	_ =	sdelay $0x4  }
0xa5: {  	v6 =	vshrl.u32 v5, $0x3  }
0xa6: {  	v6 =	vmul.u32 $0x30, v6  }
0xa7: {  	v5 =	vand.u32 $0x7, v5  }
0xa8: {  	v5 =	vor.u32 v5, v6  }
0xa9: {  	v6 =	vperm.xlane v5, v2;
	_ =	sdelay $0x1  }
0xaa: {  	v6 =	vadd.s32 v3, v6;
	_ =	sdelay $0x3  }
0xab: {  	v5 =	vperm.xlane v5, v4  }
0xac: {  	[tilespmem:s25], [sflag:$0x1] =	stream.indirect_vreg.gather [hbm4b:s3+s1], $0x80, v6, vm0, $0xb8;
	[tilespmem:$0xC180] =	vst v63  }
0xad: {  	v5 =	vadd.s32 v3, v5  }
0xae: {  	[tilespmem:s26], [sflag:$0x1] =	stream.indirect_vreg.gather [hbm4b:s4+s1], $0x80, v6, vm0, $0xb8;
	[tilespmem:$0xC180] =	vst v63  }
0xaf: {  	_ = 	snop  }
0xb0: {  	[tilespmem:s28], [sflag:$0x1] =	stream.indirect_vreg.gather [hbm4b:s5+s1], $0x80, v6, vm0, $0xb8;
	[tilespmem:$0xC180] =	vst v63  }
0xb1: {  	_ = 	snop  }
0xb2: {  	[tilespmem:s29], [sflag:$0x1] =	stream.indirect_vreg.gather [hbm4b:s3+s1], $0x80, v5, vm0, $0xb8;
	[tilespmem:$0xC180] =	vst v63  }
0xb3: {  	_ = 	snop  }
0xb4: {  	[tilespmem:s30], [sflag:$0x1] =	stream.indirect_vreg.gather [hbm4b:s4+s1], $0x80, v5, vm0, $0xb8;
	[tilespmem:$0xC180] =	vst v63  }
0xb5: {  	_ = 	snop  }
0xb6: {  	[tilespmem:s31], [sflag:$0x1] =	stream.indirect_vreg.gather [hbm4b:s5+s1], $0x80, v5, vm0, $0xb8;
	[tilespmem:$0xC180] =	vst v63  }
0xb7: {  	v5 =	vld [tilespmem:$0x110];
	_ =	sdelay $0x4  }
0xb8: {  	v6 =	vshrl.u32 v5, $0x3  }
0xb9: {  	v6 =	vmul.u32 $0x30, v6  }
0xba: {  	v5 =	vand.u32 $0x7, v5  }
0xbb: {  	v5 =	vor.u32 v5, v6  }
0xbc: {  	v6 =	vperm.xlane v5, v2;
	_ =	sdelay $0x1  }
0xbd: {  	v6 =	vadd.s32 v3, v6;
	_ =	sdelay $0x3  }
0xbe: {  	s11 =	simm.s32 $0x9180;
	v5 =	vperm.xlane v5, v4  }
0xbf: {  	[tilespmem:s11], [sflag:$0x1] =	stream.indirect_vreg.gather [hbm4b:s3+s1], $0x80, v6, vm0, $0xb8;
	[tilespmem:$0xC180] =	vst v63  }
0xc0: {  	v5 =	vadd.s32 v3, v5  }
0xc1: {  	[tilespmem:s2], [sflag:$0x1] =	stream.indirect_vreg.gather [hbm4b:s4+s1], $0x80, v6, vm0, $0xb8;
	[tilespmem:$0xC180] =	vst v63  }
0xc2: {  	_ = 	snop  }
0xc3: {  	[tilespmem:s7], [sflag:$0x1] =	stream.indirect_vreg.gather [hbm4b:s5+s1], $0x80, v6, vm0, $0xb8;
	[tilespmem:$0xC180] =	vst v63  }
0xc4: {  	_ = 	snop  }
0xc5: {  	[tilespmem:s10], [sflag:$0x1] =	stream.indirect_vreg.gather [hbm4b:s3+s1], $0x80, v5, vm0, $0xb8;
	[tilespmem:$0xC180] =	vst v63  }
0xc6: {  	s11 =	simm.s32 $0xB180  }
0xc7: {  	[tilespmem:s11], [sflag:$0x1] =	stream.indirect_vreg.gather [hbm4b:s4+s1], $0x80, v5, vm0, $0xb8;
	[tilespmem:$0xC180] =	vst v63  }
0xc8: {  	s11 =	simm.s32 $0xB980  }
0xc9: {  	[tilespmem:s11], [sflag:$0x1] =	stream.indirect_vreg.gather [hbm4b:s5+s1], $0x80, v5, vm0, $0xb8;
	[tilespmem:$0xC180] =	vst v63  }
0xca: {  	_ =	swait.ge [sflag:s9], $0x6000  }
0xcb: {  	[sflag:s9] =	ssyncset.done $0x0  }
0xcc: {  	[sflag:s9] =	ssyncadd.s32 $0xFFFFA000  }
0xcd: {  	_ =	swait.ge [sflag:s9], $0x6000  }
0xce: {  	p0 =	sne.s32 s6, $0x1;
	[sflag:s9] =	ssyncset.done $0x0  }
.Ltmp0:
0xcf: {  	s2 =	rddreg [dreg:$0x8];
	[sflag:s9] =	ssyncadd.s32 $0xFFFFA000;
	(pc) =	sbr.rel @p0 .LBB2_1-.Ltmp0, $4  }
0xd0: {  	[hbm4b:s2+s1] =	stream.linear.scatter [tilespmem:s0], [sflag:$0x2], $0x6000, $0x38;
	[tilespmem:$0xC180] =	vst v63  }
0xd1: {  	_ =	swait.ge [sflag:s8], $0x6000  }
0xd2: {  	[sflag:s8] =	ssyncset.done $0x0  }
0xd3: {  	s6 =	sadd.s32 $0xFFFFFFFF, s6;
	[sflag:s8] =	ssyncadd.s32 $0xFFFFA000  }
0xd4: {  	_ =	sfence.sel $0x180000  }
0xd5: {  	[bflag:$0x0] =	sbarrier.arrive $0xFFFF  }
0xd6: {  	_ =	strace $0x90000047  }
0xd7: {  	s0 =	stileid.u32;
	[bflag:$0x2] =	sbarrier.arrive $0xFFFF  }
0xd8: {  	p0 =	sne.s32 s0, $0x0;
	s0 =	rddreg [dreg:$0x2]  }
0xd9: {  	s0 =	sadd.s32 @!p0 $0x100000, s0  }
0xda: {  	[sflag:s0] =	ssyncadd.tile.s32 @!p0 $0x1;
	_ =	shalt  }
.Lfunc_end2:
_tile_overlayer_lowered:
.L_overlay_start_2:
0xdb: {  	(tag) =	ssettag $0x2  }
0xdc: {  	s0 =	rddreg [dreg:$0x0];
	s2 =	stileid.u32  }
0xdd: {  	s1 =	rddreg [dreg:$0x1];
	p0 =	sne.s32 s2, $0x0  }
0xde: {  	s3 =	rddreg [dreg:$0x2];
	[bflag:$0x3] =	sbarrier.arrive $0xFFFF;
	s2 =	simm.s32 @!p0 $0x1C02  }
0xdf: {  	[timem:s3], [sflag:s2] =	dma.local @!p0 [hbm:s0], s1  }
0xe0: {  	s0 =	simm.s32 @!p0 $0x2  }
0xe1: {  	_ =	swait.ge @!p0 [sflag:s0], s1  }
0xe2: {  	s1 =	ssub.s32 @!p0 $0x0, s1;
	[sflag:s0] =	ssyncset.done @!p0 $0x0  }
0xe3: {  	[sflag:s0] =	ssyncadd.s32 @!p0 s1  }
0xe4: {  	[bflag:$0x3] =	sbarrier.arrive $0xFFFF  }
0xe5: {  	_ =	shalt  }

</sc_bundles>
